<compile_context>
chip_gen: v7x
topology: tpu7x:2x2x1
jax: 0.10.2.dev20260603
libtpu: 0.0.44.dev20260713+nightly
codegen_flags: <defaults>
</compile_context>

<pallas_src>
import functools

import jax
import jax.numpy as jnp
from jax import lax
from jax.experimental import pallas as pl
from jax.experimental.pallas import tpu as pltpu
from jax.experimental.pallas import tpu_sc as plsc

N_NODES = 10000
N_PAD = 10240
N_EDGES = 320000
D_IN = 128
C_CLS = 10
C_PAD = 16
NC = 2
NS = 16
NW = NC * NS
EPT = N_EDGES // NW
ECH = 128
NBUF = 2
GW = 2
NCH = 80
HFCH = NCH // 2
EPT_PAD = NCH * ECH
RPS = N_PAD // NS
BN = 1024


def _mesh():
    return plsc.VectorSubcoreMesh(core_axis_name="c", subcore_axis_name="s")


def _sc_degree(cols3, zeros128):

    @functools.partial(
        pl.kernel,
        mesh=_mesh(),
        out_type=jax.ShapeDtypeStruct((NC * N_PAD, 128), jnp.float32),
        scratch_types=[
            pltpu.VMEM((NCH, ECH), jnp.int32),
            pltpu.VMEM((ECH, 128), jnp.float32),
            pltpu.VMEM_SHARED((N_PAD, 128), jnp.float32),
        ],
    )
    def k(cols_hbm, z_hbm, out_hbm, cols_v, ones_v, acc):
        c = lax.axis_index("c")
        s = lax.axis_index("s")
        wid = s * NC + c
        one_vec = jnp.full((16,), 1.0, jnp.float32)

        def fill_ones(i, carry):
            for j in range(8):
                ones_v[i, pl.ds(j * 16, 16)] = one_vec
            return carry

        lax.fori_loop(0, ECH, fill_ones, 0)
        pltpu.sync_copy(z_hbm, acc.at[pl.ds(s * RPS, RPS)])
        pltpu.sync_copy(cols_hbm.at[wid], cols_v)
        plsc.subcore_barrier()

        def body(j, carry):
            pltpu.sync_copy(ones_v, acc.at[cols_v.at[j]], add=True)
            return carry

        lax.fori_loop(0, NCH, body, 0)
        plsc.subcore_barrier()
        base = c * N_PAD + s * RPS
        pltpu.sync_copy(acc.at[pl.ds(s * RPS, RPS)], out_hbm.at[pl.ds(base, RPS)])

    return k(cols3, zeros128)


def _sc_scatter(g, rows3, cols3, zeros128):

    @functools.partial(
        pl.kernel,
        mesh=_mesh(),
        out_type=jax.ShapeDtypeStruct((NC * N_PAD, 128), jnp.float32),
        scratch_types=[
            pltpu.VMEM((NCH, ECH), jnp.int32),
            pltpu.VMEM((NCH, ECH), jnp.int32),
            pltpu.VMEM((ECH, 128), jnp.float32),
            pltpu.VMEM_SHARED((N_PAD, 128), jnp.float32),
            pltpu.SemaphoreType.DMA,
        ],
    )
    def k(g_hbm, rows_hbm, cols_hbm, z_hbm, out_hbm, rows_v, cols_v,
          buf, acc, sem):
        c = lax.axis_index("c")
        s = lax.axis_index("s")
        wid = s * NC + c
        pltpu.sync_copy(z_hbm, acc.at[pl.ds(s * RPS, RPS)])
        pltpu.sync_copy(rows_hbm.at[wid], rows_v)
        pltpu.sync_copy(cols_hbm.at[wid], cols_v)
        plsc.subcore_barrier()

        def body(j, carry):
            pltpu.async_copy(g_hbm.at[rows_v.at[j]], buf, sem).wait()
            pltpu.sync_copy(buf, acc.at[cols_v.at[j]], add=True)
            return carry

        lax.fori_loop(0, NCH, body, 0)
        plsc.subcore_barrier()
        base = c * N_PAD + s * RPS
        pltpu.sync_copy(acc.at[pl.ds(s * RPS, RPS)], out_hbm.at[pl.ds(base, RPS)])

    return k(g, rows3, cols3, zeros128)


def _dis(d_ref):
    deg = d_ref[0] + d_ref[1] + 1.0
    return lax.rsqrt(deg)


def _tc_layer1(x_pad, lab2, degp, W1a, W1b):
    def body(x_ref, lab_ref, d_ref, wa_ref, wb_ref, out_ref):
        dis = _dis(d_ref)
        h = jnp.dot(x_ref[...], wa_ref[...], preferred_element_type=jnp.float32)
        iota = lax.broadcasted_iota(jnp.int32, (BN, C_PAD), 1)
        oh = (lab_ref[...] == iota).astype(jnp.float32)
        h = h + jnp.dot(oh, wb_ref[...], preferred_element_type=jnp.float32)
        out_ref[...] = dis * h

    return pl.pallas_call(
        body,
        grid=(N_PAD // BN,),
        in_specs=[
            pl.BlockSpec((BN, 128), lambda i: (i, 0)),
            pl.BlockSpec((BN, 1), lambda i: (i, 0)),
            pl.BlockSpec((NC, BN, 1), lambda i: (0, i, 0)),
            pl.BlockSpec((128, 128), lambda i: (0, 0)),
            pl.BlockSpec((C_PAD, 128), lambda i: (0, 0)),
        ],
        out_specs=pl.BlockSpec((BN, 128), lambda i: (i, 0)),
        out_shape=jax.ShapeDtypeStruct((N_PAD, 128), jnp.float32),
    )(x_pad, lab2, degp, W1a, W1b)


def _tc_layer2(s1, g1, degp, W2, b1):
    def body(s_ref, g_ref, d_ref, w_ref, b_ref, out_ref):
        dis = _dis(d_ref)
        z = dis * (s_ref[0] + s_ref[1] + g_ref[...]) + b_ref[...]
        h = jnp.maximum(z, 0.0)
        out_ref[...] = dis * jnp.dot(h, w_ref[...], preferred_element_type=jnp.float32)

    return pl.pallas_call(
        body,
        grid=(N_PAD // BN,),
        in_specs=[
            pl.BlockSpec((NC, BN, 128), lambda i: (0, i, 0)),
            pl.BlockSpec((BN, 128), lambda i: (i, 0)),
            pl.BlockSpec((NC, BN, 1), lambda i: (0, i, 0)),
            pl.BlockSpec((128, 128), lambda i: (0, 0)),
            pl.BlockSpec((1, 128), lambda i: (0, 0)),
        ],
        out_specs=pl.BlockSpec((BN, 128), lambda i: (i, 0)),
        out_shape=jax.ShapeDtypeStruct((N_PAD, 128), jnp.float32),
    )(s1, g1, degp, W2, b1)


def _tc_layer3(s2, g2, degp, b2):
    def body(s_ref, g_ref, d_ref, b_ref, out_ref):
        dis = _dis(d_ref)
        out_ref[...] = dis * (s_ref[0] + s_ref[1] + g_ref[...]) + b_ref[...]

    return pl.pallas_call(
        body,
        grid=(N_PAD // BN,),
        in_specs=[
            pl.BlockSpec((NC, BN, 128), lambda i: (0, i, 0)),
            pl.BlockSpec((BN, 128), lambda i: (i, 0)),
            pl.BlockSpec((NC, BN, 1), lambda i: (0, i, 0)),
            pl.BlockSpec((1, 128), lambda i: (0, 0)),
        ],
        out_specs=pl.BlockSpec((BN, 128), lambda i: (i, 0)),
        out_shape=jax.ShapeDtypeStruct((N_PAD, 128), jnp.float32),
    )(s2, g2, degp, b2)


def kernel(x, edge_index, class_labels, W1, b1, W2, b2):
    row = edge_index[0]
    col = edge_index[1]
    pad_e = EPT_PAD - EPT
    rows3 = jnp.pad(row.reshape(NW, EPT), ((0, 0), (0, pad_e))).reshape(
        NW, NCH, ECH)
    padv = N_NODES + (jnp.arange(pad_e, dtype=jnp.int32)
                      % (N_PAD - N_NODES))
    cols3 = jnp.concatenate(
        [col.reshape(NW, EPT),
         jnp.broadcast_to(padv, (NW, pad_e))], axis=1).reshape(NW, NCH, ECH)
    x_pad = jnp.pad(x, ((0, N_PAD - N_NODES), (0, 0)))
    lab2 = jnp.pad(class_labels, (0, N_PAD - N_NODES)).reshape(N_PAD, 1)
    W1a = W1[:D_IN]
    W1b = jnp.pad(W1[D_IN:], ((0, C_PAD - C_CLS), (0, 0)))
    zeros128 = jnp.zeros((RPS, 128), jnp.float32)

    degp = _sc_degree(cols3, zeros128).reshape(NC, N_PAD, 128)[:, :, :1]
    g1 = _tc_layer1(x_pad, lab2, degp, W1a, W1b)
    s1 = _sc_scatter(g1, rows3, cols3, zeros128).reshape(NC, N_PAD, 128)
    g2 = _tc_layer2(s1, g1, degp, W2, b1.reshape(1, 128))
    s2 = _sc_scatter(g2, rows3, cols3, zeros128).reshape(NC, N_PAD, 128)
    out = _tc_layer3(s2, g2, degp, b2.reshape(1, 128))
    return out[:N_NODES]

# --- scband reference (transcript-rebuilt; emitter-appended) ---
"""Pipeline reference for scband-conditional-gnn-67473936220323 (READ-ONLY COPY).

The authoritative reference and input builder live on the scoring server;
editing this copy changes nothing except your own understanding.
"""

import jax, jax.numpy as jnp
import numpy as np

N = 10000
E = 320000
D = 128
H = 128
O = 128
C = 10


def setup_inputs(seed: int = 0) -> dict:
    key = jax.random.key(seed)
    k1, k2, k3, k4, k5 = jax.random.split(key, 5)
    x = jax.random.normal(k1, (N, D), dtype=jnp.float32)
    edge_index = jax.random.randint(k2, (2, E), 0, N, dtype=jnp.int32)
    class_labels = jax.random.randint(k3, (N,), 0, C, dtype=jnp.int32)
    W1 = jax.random.normal(k4, (D + C, H), dtype=jnp.float32) * 0.05
    b1 = jnp.zeros((H,), dtype=jnp.float32)
    W2 = jax.random.normal(k5, (H, O), dtype=jnp.float32) * 0.05
    b2 = jnp.zeros((O,), dtype=jnp.float32)
    return {"x": x, "edge_index": edge_index, "class_labels": class_labels,
            "W1": W1, "b1": b1, "W2": W2, "b2": b2}


def _gcn_conv(x, edge_index, W, b):
    # PyG GCNConv: linear transform, add self-loops, symmetric normalization,
    # scatter-add aggregation from source (row) to target (col), then bias.
    num_nodes = x.shape[0]
    h = x @ W
    loop = jnp.arange(num_nodes, dtype=edge_index.dtype)
    row = jnp.concatenate([edge_index[0], loop])
    col = jnp.concatenate([edge_index[1], loop])
    deg = jnp.zeros((num_nodes,), dtype=h.dtype).at[col].add(1.0)
    deg_inv_sqrt = jnp.where(deg > 0, jax.lax.rsqrt(jnp.maximum(deg, 1e-12)), 0.0)
    norm = deg_inv_sqrt[row] * deg_inv_sqrt[col]
    msg = h[row] * norm[:, None]
    out = jax.ops.segment_sum(msg, col, num_segments=num_nodes)
    return out + b


def reference(x, edge_index, class_labels, W1, b1, W2, b2):
    class_embedding = jax.nn.one_hot(class_labels, C, dtype=x.dtype)
    x_cond = jnp.concatenate([x, class_embedding], axis=-1)
    h = jax.nn.relu(_gcn_conv(x_cond, edge_index, W1, b1))
    out = _gcn_conv(h, edge_index, W2, b2)
    return out

if __name__ == "__main__":
    import jax
    _d = setup_inputs()
    print(jax.jit(kernel)(*tuple(_d.values())))

</pallas_src>

<mosaic_0001>
#map = affine_map<(d0, d1) -> (0, 0, 0)>
#map1 = affine_map<(d0, d1) -> (0, 0)>
module attributes {stable_mosaic.version = 14 : i64} {
  func.func @k(%arg0: i32, %arg1: i32, %arg2: memref<32x80x128xi32, #tpu.memory_space<hbm>>, %arg3: memref<640x128xf32, #tpu.memory_space<hbm>>, %arg4: memref<20480x128xf32, #tpu.memory_space<hbm>>, %arg5: memref<80x128xi32, #tpu.memory_space<vmem>>, %arg6: memref<128x128xf32, #tpu.memory_space<vmem>>, %arg7: memref<10240x128xf32, #tpu.memory_space<vmem_shared>>) attributes {dimension_semantics = [#tpu.dimension_semantics<core_parallel>, #tpu.dimension_semantics<subcore_parallel>], iteration_bounds = array<i64: 2, 16>, scalar_prefetch = 0 : i64, scratch_operands = 3 : i64, tpu.core_type = #tpu.core_type<sc_vector_subcore>, window_params = [{transform_indices = #map}, {transform_indices = #map1}, {transform_indices = #map1}]} {
    %mul3A = arith.constant 2 : i32
    %mul3A_0 = arith.muli %arg1, %mul3A : i32
    %add3A = arith.addi %mul3A_0, %arg0 : i32
    %broadcast_in_dim3A = arith.constant 1.000000e+00 : f32
    %broadcast_in_dim3A_1 = vector.broadcast %broadcast_in_dim3A : f32 to vector<16xf32>
    %scan3A = arith.constant 0 : i32
    %scan3A_2 = arith.constant 0 : i32
    %scan3A_3 = arith.constant 128 : i32
    %scan3A_4 = arith.addi %scan3A_2, %scan3A_3 : i32
    %scan3A_5 = arith.constant 1 : i32
    scf.for %scan3A_23 = %scan3A_2 to %scan3A_4 step %scan3A_5  : i32 {
      %swap3A = arith.index_cast %scan3A_23 : i32 to index
      %swap3A_24 = arith.constant 0 : index
      %swap3A_25 = tpu.vector_load %arg6[%swap3A, %swap3A_24] {strides = array<i32>} : memref<128x128xf32, #tpu.memory_space<vmem>>, vector<1x16xf32>,
      %swap3A_26 = vector.shape_cast %swap3A_25 : vector<1x16xf32> to vector<16xf32>
      %swap3A_27 = vector.shape_cast %broadcast_in_dim3A_1 : vector<16xf32> to vector<1x16xf32>
      tpu.vector_store %arg6[%swap3A, %swap3A_24], %swap3A_27 {strides = array<i32>} : memref<128x128xf32, #tpu.memory_space<vmem>>, vector<1x16xf32>,
      %swap3A_28 = arith.index_cast %scan3A_23 : i32 to index
      %swap3A_29 = arith.constant 16 : index
      %swap3A_30 = tpu.vector_load %arg6[%swap3A_28, %swap3A_29] {strides = array<i32>} : memref<128x128xf32, #tpu.memory_space<vmem>>, vector<1x16xf32>,
      %swap3A_31 = vector.shape_cast %swap3A_30 : vector<1x16xf32> to vector<16xf32>
      %swap3A_32 = vector.shape_cast %broadcast_in_dim3A_1 : vector<16xf32> to vector<1x16xf32>
      tpu.vector_store %arg6[%swap3A_28, %swap3A_29], %swap3A_32 {strides = array<i32>} : memref<128x128xf32, #tpu.memory_space<vmem>>, vector<1x16xf32>,
      %swap3A_33 = arith.index_cast %scan3A_23 : i32 to index
      %swap3A_34 = arith.constant 32 : index
      %swap3A_35 = tpu.vector_load %arg6[%swap3A_33, %swap3A_34] {strides = array<i32>} : memref<128x128xf32, #tpu.memory_space<vmem>>, vector<1x16xf32>,
      %swap3A_36 = vector.shape_cast %swap3A_35 : vector<1x16xf32> to vector<16xf32>
      %swap3A_37 = vector.shape_cast %broadcast_in_dim3A_1 : vector<16xf32> to vector<1x16xf32>
      tpu.vector_store %arg6[%swap3A_33, %swap3A_34], %swap3A_37 {strides = array<i32>} : memref<128x128xf32, #tpu.memory_space<vmem>>, vector<1x16xf32>,
      %swap3A_38 = arith.index_cast %scan3A_23 : i32 to index
      %swap3A_39 = arith.constant 48 : index
      %swap3A_40 = tpu.vector_load %arg6[%swap3A_38, %swap3A_39] {strides = array<i32>} : memref<128x128xf32, #tpu.memory_space<vmem>>, vector<1x16xf32>,
      %swap3A_41 = vector.shape_cast %swap3A_40 : vector<1x16xf32> to vector<16xf32>
      %swap3A_42 = vector.shape_cast %broadcast_in_dim3A_1 : vector<16xf32> to vector<1x16xf32>
      tpu.vector_store %arg6[%swap3A_38, %swap3A_39], %swap3A_42 {strides = array<i32>} : memref<128x128xf32, #tpu.memory_space<vmem>>, vector<1x16xf32>,
      %swap3A_43 = arith.index_cast %scan3A_23 : i32 to index
      %swap3A_44 = arith.constant 64 : index
      %swap3A_45 = tpu.vector_load %arg6[%swap3A_43, %swap3A_44] {strides = array<i32>} : memref<128x128xf32, #tpu.memory_space<vmem>>, vector<1x16xf32>,
      %swap3A_46 = vector.shape_cast %swap3A_45 : vector<1x16xf32> to vector<16xf32>
      %swap3A_47 = vector.shape_cast %broadcast_in_dim3A_1 : vector<16xf32> to vector<1x16xf32>
      tpu.vector_store %arg6[%swap3A_43, %swap3A_44], %swap3A_47 {strides = array<i32>} : memref<128x128xf32, #tpu.memory_space<vmem>>, vector<1x16xf32>,
      %swap3A_48 = arith.index_cast %scan3A_23 : i32 to index
      %swap3A_49 = arith.constant 80 : index
      %swap3A_50 = tpu.vector_load %arg6[%swap3A_48, %swap3A_49] {strides = array<i32>} : memref<128x128xf32, #tpu.memory_space<vmem>>, vector<1x16xf32>,
      %swap3A_51 = vector.shape_cast %swap3A_50 : vector<1x16xf32> to vector<16xf32>
      %swap3A_52 = vector.shape_cast %broadcast_in_dim3A_1 : vector<16xf32> to vector<1x16xf32>
      tpu.vector_store %arg6[%swap3A_48, %swap3A_49], %swap3A_52 {strides = array<i32>} : memref<128x128xf32, #tpu.memory_space<vmem>>, vector<1x16xf32>,
      %swap3A_53 = arith.index_cast %scan3A_23 : i32 to index
      %swap3A_54 = arith.constant 96 : index
      %swap3A_55 = tpu.vector_load %arg6[%swap3A_53, %swap3A_54] {strides = array<i32>} : memref<128x128xf32, #tpu.memory_space<vmem>>, vector<1x16xf32>,
      %swap3A_56 = vector.shape_cast %swap3A_55 : vector<1x16xf32> to vector<16xf32>
      %swap3A_57 = vector.shape_cast %broadcast_in_dim3A_1 : vector<16xf32> to vector<1x16xf32>
      tpu.vector_store %arg6[%swap3A_53, %swap3A_54], %swap3A_57 {strides = array<i32>} : memref<128x128xf32, #tpu.memory_space<vmem>>, vector<1x16xf32>,
      %swap3A_58 = arith.index_cast %scan3A_23 : i32 to index
      %swap3A_59 = arith.constant 112 : index
      %swap3A_60 = tpu.vector_load %arg6[%swap3A_58, %swap3A_59] {strides = array<i32>} : memref<128x128xf32, #tpu.memory_space<vmem>>, vector<1x16xf32>,
      %swap3A_61 = vector.shape_cast %swap3A_60 : vector<1x16xf32> to vector<16xf32>
      %swap3A_62 = vector.shape_cast %broadcast_in_dim3A_1 : vector<16xf32> to vector<1x16xf32>
      tpu.vector_store %arg6[%swap3A_58, %swap3A_59], %swap3A_62 {strides = array<i32>} : memref<128x128xf32, #tpu.memory_space<vmem>>, vector<1x16xf32>,
    }
    %scan3A_6 = arith.constant 128 : i32
    %mul3A_7 = arith.constant 640 : i32
    %mul3A_8 = arith.muli %arg1, %mul3A_7 : i32
    "tpu.region"() ({
      %run_scoped3A = tpu.sem_alloc : memref<!tpu.dma_semaphore, #tpu.memory_space<semaphore_mem>>
      %dma_start3A = arith.constant 0 : i32
      %dma_start3A_23 = tpu.memref_slice %arg7[%mul3A_8, %dma_start3A] : memref<10240x128xf32, #tpu.memory_space<vmem_shared>> -> memref<640x128xf32, #tpu.memory_space<vmem_shared>>
      tpu.enqueue_dma source(%arg3 : memref<640x128xf32, #tpu.memory_space<hbm>>) target(%dma_start3A_23 : memref<640x128xf32, #tpu.memory_space<vmem_shared>>) target_semaphore(%run_scoped3A : memref<!tpu.dma_semaphore, #tpu.memory_space<semaphore_mem>>)
      %dma_wait3A = arith.constant 0 : i32
      %dma_wait3A_24 = tpu.memref_slice %arg7[%mul3A_8, %dma_wait3A] : memref<10240x128xf32, #tpu.memory_space<vmem_shared>> -> memref<640x128xf32, #tpu.memory_space<vmem_shared>>
      tpu.wait_dma2 semaphore(%run_scoped3A : memref<!tpu.dma_semaphore, #tpu.memory_space<semaphore_mem>>) src(%arg3 : memref<640x128xf32, #tpu.memory_space<hbm>>) dst(%dma_wait3A_24 : memref<640x128xf32, #tpu.memory_space<vmem_shared>>)
      tpu.yield
    }) : () -> ()
    "tpu.region"() ({
      %run_scoped3A = tpu.sem_alloc : memref<!tpu.dma_semaphore, #tpu.memory_space<semaphore_mem>>
      %dma_start3A = arith.constant 0 : i32
      %dma_start3A_23 = arith.constant 0 : i32
      %dma_start3A_24 = tpu.memref_slice %arg2[%add3A, %dma_start3A, %dma_start3A_23] : memref<32x80x128xi32, #tpu.memory_space<hbm>> -> memref<1x80x128xi32, #tpu.memory_space<hbm>>
      %dma_start3A_25 = tpu.memref_squeeze %dma_start3A_24 : memref<1x80x128xi32, #tpu.memory_space<hbm>> -> memref<80x128xi32, #tpu.memory_space<hbm>>
      %dma_start3A_26 = arith.constant 0 : i32
      %dma_start3A_27 = arith.constant 0 : i32
      %dma_start3A_28 = tpu.memref_slice %arg2[%add3A, %dma_start3A_26, %dma_start3A_27] : memref<32x80x128xi32, #tpu.memory_space<hbm>> -> memref<1x80x128xi32, #tpu.memory_space<hbm>>
      %dma_start3A_29 = tpu.memref_squeeze %dma_start3A_28 : memref<1x80x128xi32, #tpu.memory_space<hbm>> -> memref<80x128xi32, #tpu.memory_space<hbm>>
      tpu.enqueue_dma source(%dma_start3A_29 : memref<80x128xi32, #tpu.memory_space<hbm>>) target(%arg5 : memref<80x128xi32, #tpu.memory_space<vmem>>) target_semaphore(%run_scoped3A : memref<!tpu.dma_semaphore, #tpu.memory_space<semaphore_mem>>)
      %dma_wait3A = arith.constant 0 : i32
      %dma_wait3A_30 = arith.constant 0 : i32
      %dma_wait3A_31 = tpu.memref_slice %arg2[%add3A, %dma_wait3A, %dma_wait3A_30] : memref<32x80x128xi32, #tpu.memory_space<hbm>> -> memref<1x80x128xi32, #tpu.memory_space<hbm>>
      %dma_wait3A_32 = tpu.memref_squeeze %dma_wait3A_31 : memref<1x80x128xi32, #tpu.memory_space<hbm>> -> memref<80x128xi32, #tpu.memory_space<hbm>>
      %dma_wait3A_33 = arith.constant 0 : i32
      %dma_wait3A_34 = arith.constant 0 : i32
      %dma_wait3A_35 = tpu.memref_slice %arg2[%add3A, %dma_wait3A_33, %dma_wait3A_34] : memref<32x80x128xi32, #tpu.memory_space<hbm>> -> memref<1x80x128xi32, #tpu.memory_space<hbm>>
      %dma_wait3A_36 = tpu.memref_squeeze %dma_wait3A_35 : memref<1x80x128xi32, #tpu.memory_space<hbm>> -> memref<80x128xi32, #tpu.memory_space<hbm>>
      tpu.wait_dma2 semaphore(%run_scoped3A : memref<!tpu.dma_semaphore, #tpu.memory_space<semaphore_mem>>) src(%dma_wait3A_36 : memref<80x128xi32, #tpu.memory_space<hbm>>) dst(%arg5 : memref<80x128xi32, #tpu.memory_space<vmem>>)
      tpu.yield
    }) : () -> ()
    %barrier3A = arith.constant 0 : index
    tpu.barrier barrier_id(%barrier3A)
    %scan3A_9 = arith.constant 0 : i32
    %scan3A_10 = arith.constant 0 : i32
    %scan3A_11 = arith.constant 80 : i32
    %scan3A_12 = arith.addi %scan3A_10, %scan3A_11 : i32
    %scan3A_13 = arith.constant 1 : i32
    scf.for %scan3A_23 = %scan3A_10 to %scan3A_12 step %scan3A_13  : i32 {
      "tpu.region"() ({
        %run_scoped3A = tpu.sem_alloc : memref<!tpu.dma_semaphore, #tpu.memory_space<semaphore_mem>>
        %dma_start3A = arith.constant 0 : i32
        %dma_start3A_24 = tpu.memref_slice %arg5[%scan3A_23, %dma_start3A] : memref<80x128xi32, #tpu.memory_space<vmem>> -> memref<1x128xi32, #tpu.memory_space<vmem>>
        %dma_start3A_25 = tpu.memref_squeeze %dma_start3A_24 : memref<1x128xi32, #tpu.memory_space<vmem>> -> memref<128xi32, #tpu.memory_space<vmem>>
        %dma_start3A_26 = arith.constant 0 : i32
        %dma_start3A_27 = arith.constant 0 : i32
        %dma_start3A_28 = tpu.memref_slice %arg7[%dma_start3A_26, %dma_start3A_27] : memref<10240x128xf32, #tpu.memory_space<vmem_shared>> -> memref<10240x128xf32, #tpu.memory_space<vmem_shared>>
        tpu.enqueue_indirect_dma source(%arg6 : memref<128x128xf32, #tpu.memory_space<vmem>>) target(%dma_start3A_28 : memref<10240x128xf32, #tpu.memory_space<vmem_shared>>) offsets(%dma_start3A_25 : memref<128xi32, #tpu.memory_space<vmem>>) semaphore(%run_scoped3A : memref<!tpu.dma_semaphore, #tpu.memory_space<semaphore_mem>>) {add = true}
        %dma_wait3A = arith.constant 0 : i32
        %dma_wait3A_29 = tpu.memref_slice %arg5[%scan3A_23, %dma_wait3A] : memref<80x128xi32, #tpu.memory_space<vmem>> -> memref<1x128xi32, #tpu.memory_space<vmem>>
        %dma_wait3A_30 = tpu.memref_squeeze %dma_wait3A_29 : memref<1x128xi32, #tpu.memory_space<vmem>> -> memref<128xi32, #tpu.memory_space<vmem>>
        %dma_wait3A_31 = arith.constant 0 : i32
        %dma_wait3A_32 = arith.constant 0 : i32
        %dma_wait3A_33 = tpu.memref_slice %arg7[%dma_wait3A_31, %dma_wait3A_32] : memref<10240x128xf32, #tpu.memory_space<vmem_shared>> -> memref<10240x128xf32, #tpu.memory_space<vmem_shared>>
        tpu.wait_indirect_dma semaphore(%run_scoped3A : memref<!tpu.dma_semaphore, #tpu.memory_space<semaphore_mem>>) src(%arg6 : memref<128x128xf32, #tpu.memory_space<vmem>>) dst(%dma_wait3A_33 : memref<10240x128xf32, #tpu.memory_space<vmem_shared>>)
        tpu.yield
      }) : () -> ()
    }
    %scan3A_14 = arith.constant 80 : i32
    %barrier3A_15 = arith.constant 0 : index
    tpu.barrier barrier_id(%barrier3A_15)
    %mul3A_16 = arith.constant 10240 : i32
    %mul3A_17 = arith.muli %arg0, %mul3A_16 : i32
    %mul3A_18 = arith.constant 640 : i32
    %mul3A_19 = arith.muli %arg1, %mul3A_18 : i32
    %add3A_20 = arith.addi %mul3A_17, %mul3A_19 : i32
    %mul3A_21 = arith.constant 640 : i32
    %mul3A_22 = arith.muli %arg1, %mul3A_21 : i32
    "tpu.region"() ({
      %run_scoped3A = tpu.sem_alloc : memref<!tpu.dma_semaphore, #tpu.memory_space<semaphore_mem>>
      %dma_start3A = arith.constant 0 : i32
      %dma_start3A_23 = tpu.memref_slice %arg4[%add3A_20, %dma_start3A] : memref<20480x128xf32, #tpu.memory_space<hbm>> -> memref<640x128xf32, #tpu.memory_space<hbm>>
      %dma_start3A_24 = arith.constant 0 : i32
      %dma_start3A_25 = tpu.memref_slice %arg7[%mul3A_22, %dma_start3A_24] : memref<10240x128xf32, #tpu.memory_space<vmem_shared>> -> memref<640x128xf32, #tpu.memory_space<vmem_shared>>
      tpu.enqueue_dma source(%dma_start3A_25 : memref<640x128xf32, #tpu.memory_space<vmem_shared>>) target(%dma_start3A_23 : memref<640x128xf32, #tpu.memory_space<hbm>>) target_semaphore(%run_scoped3A : memref<!tpu.dma_semaphore, #tpu.memory_space<semaphore_mem>>)
      %dma_wait3A = arith.constant 0 : i32
      %dma_wait3A_26 = tpu.memref_slice %arg4[%add3A_20, %dma_wait3A] : memref<20480x128xf32, #tpu.memory_space<hbm>> -> memref<640x128xf32, #tpu.memory_space<hbm>>
      %dma_wait3A_27 = arith.constant 0 : i32
      %dma_wait3A_28 = tpu.memref_slice %arg7[%mul3A_22, %dma_wait3A_27] : memref<10240x128xf32, #tpu.memory_space<vmem_shared>> -> memref<640x128xf32, #tpu.memory_space<vmem_shared>>
      tpu.wait_dma2 semaphore(%run_scoped3A : memref<!tpu.dma_semaphore, #tpu.memory_space<semaphore_mem>>) src(%dma_wait3A_28 : memref<640x128xf32, #tpu.memory_space<vmem_shared>>) dst(%dma_wait3A_26 : memref<640x128xf32, #tpu.memory_space<hbm>>)
      tpu.yield
    }) : () -> ()
    return
  }
}

#map = affine_map<(d0, d1) -> (0, 0)>
#map1 = affine_map<(d0, d1) -> (0, 0, 0)>
module attributes {stable_mosaic.version = 14 : i64} {
  func.func @k(%arg0: i32, %arg1: i32, %arg2: memref<10240x128xf32, #tpu.memory_space<hbm>>, %arg3: memref<32x80x128xi32, #tpu.memory_space<hbm>>, %arg4: memref<32x80x128xi32, #tpu.memory_space<hbm>>, %arg5: memref<640x128xf32, #tpu.memory_space<hbm>>, %arg6: memref<20480x128xf32, #tpu.memory_space<hbm>>, %arg7: memref<80x128xi32, #tpu.memory_space<vmem>>, %arg8: memref<80x128xi32, #tpu.memory_space<vmem>>, %arg9: memref<128x128xf32, #tpu.memory_space<vmem>>, %arg10: memref<10240x128xf32, #tpu.memory_space<vmem_shared>>, %arg11: memref<!tpu.dma_semaphore, #tpu.memory_space<semaphore_mem>>) attributes {dimension_semantics = [#tpu.dimension_semantics<core_parallel>, #tpu.dimension_semantics<subcore_parallel>], iteration_bounds = array<i64: 2, 16>, scalar_prefetch = 0 : i64, scratch_operands = 5 : i64, tpu.core_type = #tpu.core_type<sc_vector_subcore>, window_params = [{transform_indices = #map}, {transform_indices = #map1}, {transform_indices = #map1}, {transform_indices = #map}, {transform_indices = #map}]} {
    %mul3A = arith.constant 2 : i32
    %mul3A_0 = arith.muli %arg1, %mul3A : i32
    %add3A = arith.addi %mul3A_0, %arg0 : i32
    %mul3A_1 = arith.constant 640 : i32
    %mul3A_2 = arith.muli %arg1, %mul3A_1 : i32
    "tpu.region"() ({
      %run_scoped3A = tpu.sem_alloc : memref<!tpu.dma_semaphore, #tpu.memory_space<semaphore_mem>>
      %dma_start3A = arith.constant 0 : i32
      %dma_start3A_16 = tpu.memref_slice %arg10[%mul3A_2, %dma_start3A] : memref<10240x128xf32, #tpu.memory_space<vmem_shared>> -> memref<640x128xf32, #tpu.memory_space<vmem_shared>>
      tpu.enqueue_dma source(%arg5 : memref<640x128xf32, #tpu.memory_space<hbm>>) target(%dma_start3A_16 : memref<640x128xf32, #tpu.memory_space<vmem_shared>>) target_semaphore(%run_scoped3A : memref<!tpu.dma_semaphore, #tpu.memory_space<semaphore_mem>>)
      %dma_wait3A = arith.constant 0 : i32
      %dma_wait3A_17 = tpu.memref_slice %arg10[%mul3A_2, %dma_wait3A] : memref<10240x128xf32, #tpu.memory_space<vmem_shared>> -> memref<640x128xf32, #tpu.memory_space<vmem_shared>>
      tpu.wait_dma2 semaphore(%run_scoped3A : memref<!tpu.dma_semaphore, #tpu.memory_space<semaphore_mem>>) src(%arg5 : memref<640x128xf32, #tpu.memory_space<hbm>>) dst(%dma_wait3A_17 : memref<640x128xf32, #tpu.memory_space<vmem_shared>>)
      tpu.yield
    }) : () -> ()
    "tpu.region"() ({
      %run_scoped3A = tpu.sem_alloc : memref<!tpu.dma_semaphore, #tpu.memory_space<semaphore_mem>>
      %dma_start3A = arith.constant 0 : i32
      %dma_start3A_16 = arith.constant 0 : i32
      %dma_start3A_17 = tpu.memref_slice %arg3[%add3A, %dma_start3A, %dma_start3A_16] : memref<32x80x128xi32, #tpu.memory_space<hbm>> -> memref<1x80x128xi32, #tpu.memory_space<hbm>>
      %dma_start3A_18 = tpu.memref_squeeze %dma_start3A_17 : memref<1x80x128xi32, #tpu.memory_space<hbm>> -> memref<80x128xi32, #tpu.memory_space<hbm>>
      %dma_start3A_19 = arith.constant 0 : i32
      %dma_start3A_20 = arith.constant 0 : i32
      %dma_start3A_21 = tpu.memref_slice %arg3[%add3A, %dma_start3A_19, %dma_start3A_20] : memref<32x80x128xi32, #tpu.memory_space<hbm>> -> memref<1x80x128xi32, #tpu.memory_space<hbm>>
      %dma_start3A_22 = tpu.memref_squeeze %dma_start3A_21 : memref<1x80x128xi32, #tpu.memory_space<hbm>> -> memref<80x128xi32, #tpu.memory_space<hbm>>
      tpu.enqueue_dma source(%dma_start3A_22 : memref<80x128xi32, #tpu.memory_space<hbm>>) target(%arg7 : memref<80x128xi32, #tpu.memory_space<vmem>>) target_semaphore(%run_scoped3A : memref<!tpu.dma_semaphore, #tpu.memory_space<semaphore_mem>>)
      %dma_wait3A = arith.constant 0 : i32
      %dma_wait3A_23 = arith.constant 0 : i32
      %dma_wait3A_24 = tpu.memref_slice %arg3[%add3A, %dma_wait3A, %dma_wait3A_23] : memref<32x80x128xi32, #tpu.memory_space<hbm>> -> memref<1x80x128xi32, #tpu.memory_space<hbm>>
      %dma_wait3A_25 = tpu.memref_squeeze %dma_wait3A_24 : memref<1x80x128xi32, #tpu.memory_space<hbm>> -> memref<80x128xi32, #tpu.memory_space<hbm>>
      %dma_wait3A_26 = arith.constant 0 : i32
      %dma_wait3A_27 = arith.constant 0 : i32
      %dma_wait3A_28 = tpu.memref_slice %arg3[%add3A, %dma_wait3A_26, %dma_wait3A_27] : memref<32x80x128xi32, #tpu.memory_space<hbm>> -> memref<1x80x128xi32, #tpu.memory_space<hbm>>
      %dma_wait3A_29 = tpu.memref_squeeze %dma_wait3A_28 : memref<1x80x128xi32, #tpu.memory_space<hbm>> -> memref<80x128xi32, #tpu.memory_space<hbm>>
      tpu.wait_dma2 semaphore(%run_scoped3A : memref<!tpu.dma_semaphore, #tpu.memory_space<semaphore_mem>>) src(%dma_wait3A_29 : memref<80x128xi32, #tpu.memory_space<hbm>>) dst(%arg7 : memref<80x128xi32, #tpu.memory_space<vmem>>)
      tpu.yield
    }) : () -> ()
    "tpu.region"() ({
      %run_scoped3A = tpu.sem_alloc : memref<!tpu.dma_semaphore, #tpu.memory_space<semaphore_mem>>
      %dma_start3A = arith.constant 0 : i32
      %dma_start3A_16 = arith.constant 0 : i32
      %dma_start3A_17 = tpu.memref_slice %arg4[%add3A, %dma_start3A, %dma_start3A_16] : memref<32x80x128xi32, #tpu.memory_space<hbm>> -> memref<1x80x128xi32, #tpu.memory_space<hbm>>
      %dma_start3A_18 = tpu.memref_squeeze %dma_start3A_17 : memref<1x80x128xi32, #tpu.memory_space<hbm>> -> memref<80x128xi32, #tpu.memory_space<hbm>>
      %dma_start3A_19 = arith.constant 0 : i32
      %dma_start3A_20 = arith.constant 0 : i32
      %dma_start3A_21 = tpu.memref_slice %arg4[%add3A, %dma_start3A_19, %dma_start3A_20] : memref<32x80x128xi32, #tpu.memory_space<hbm>> -> memref<1x80x128xi32, #tpu.memory_space<hbm>>
      %dma_start3A_22 = tpu.memref_squeeze %dma_start3A_21 : memref<1x80x128xi32, #tpu.memory_space<hbm>> -> memref<80x128xi32, #tpu.memory_space<hbm>>
      tpu.enqueue_dma source(%dma_start3A_22 : memref<80x128xi32, #tpu.memory_space<hbm>>) target(%arg8 : memref<80x128xi32, #tpu.memory_space<vmem>>) target_semaphore(%run_scoped3A : memref<!tpu.dma_semaphore, #tpu.memory_space<semaphore_mem>>)
      %dma_wait3A = arith.constant 0 : i32
      %dma_wait3A_23 = arith.constant 0 : i32
      %dma_wait3A_24 = tpu.memref_slice %arg4[%add3A, %dma_wait3A, %dma_wait3A_23] : memref<32x80x128xi32, #tpu.memory_space<hbm>> -> memref<1x80x128xi32, #tpu.memory_space<hbm>>
      %dma_wait3A_25 = tpu.memref_squeeze %dma_wait3A_24 : memref<1x80x128xi32, #tpu.memory_space<hbm>> -> memref<80x128xi32, #tpu.memory_space<hbm>>
      %dma_wait3A_26 = arith.constant 0 : i32
      %dma_wait3A_27 = arith.constant 0 : i32
      %dma_wait3A_28 = tpu.memref_slice %arg4[%add3A, %dma_wait3A_26, %dma_wait3A_27] : memref<32x80x128xi32, #tpu.memory_space<hbm>> -> memref<1x80x128xi32, #tpu.memory_space<hbm>>
      %dma_wait3A_29 = tpu.memref_squeeze %dma_wait3A_28 : memref<1x80x128xi32, #tpu.memory_space<hbm>> -> memref<80x128xi32, #tpu.memory_space<hbm>>
      tpu.wait_dma2 semaphore(%run_scoped3A : memref<!tpu.dma_semaphore, #tpu.memory_space<semaphore_mem>>) src(%dma_wait3A_29 : memref<80x128xi32, #tpu.memory_space<hbm>>) dst(%arg8 : memref<80x128xi32, #tpu.memory_space<vmem>>)
      tpu.yield
    }) : () -> ()
    %barrier3A = arith.constant 0 : index
    tpu.barrier barrier_id(%barrier3A)
    %scan3A = arith.constant 0 : i32
    %scan3A_3 = arith.constant 0 : i32
    %scan3A_4 = arith.constant 80 : i32
    %scan3A_5 = arith.addi %scan3A_3, %scan3A_4 : i32
    %scan3A_6 = arith.constant 1 : i32
    scf.for %scan3A_16 = %scan3A_3 to %scan3A_5 step %scan3A_6  : i32 {
      %dma_start3A = arith.constant 0 : i32
      %dma_start3A_17 = tpu.memref_slice %arg7[%scan3A_16, %dma_start3A] : memref<80x128xi32, #tpu.memory_space<vmem>> -> memref<1x128xi32, #tpu.memory_space<vmem>>
      %dma_start3A_18 = tpu.memref_squeeze %dma_start3A_17 : memref<1x128xi32, #tpu.memory_space<vmem>> -> memref<128xi32, #tpu.memory_space<vmem>>
      %dma_start3A_19 = arith.constant 0 : i32
      %dma_start3A_20 = arith.constant 0 : i32
      %dma_start3A_21 = tpu.memref_slice %arg2[%dma_start3A_19, %dma_start3A_20] : memref<10240x128xf32, #tpu.memory_space<hbm>> -> memref<10240x128xf32, #tpu.memory_space<hbm>>
      tpu.enqueue_indirect_dma source(%dma_start3A_21 : memref<10240x128xf32, #tpu.memory_space<hbm>>) target(%arg9 : memref<128x128xf32, #tpu.memory_space<vmem>>) offsets(%dma_start3A_18 : memref<128xi32, #tpu.memory_space<vmem>>) semaphore(%arg11 : memref<!tpu.dma_semaphore, #tpu.memory_space<semaphore_mem>>)
      %dma_wait3A = arith.constant 0 : i32
      %dma_wait3A_22 = tpu.memref_slice %arg7[%scan3A_16, %dma_wait3A] : memref<80x128xi32, #tpu.memory_space<vmem>> -> memref<1x128xi32, #tpu.memory_space<vmem>>
      %dma_wait3A_23 = tpu.memref_squeeze %dma_wait3A_22 : memref<1x128xi32, #tpu.memory_space<vmem>> -> memref<128xi32, #tpu.memory_space<vmem>>
      %dma_wait3A_24 = arith.constant 0 : i32
      %dma_wait3A_25 = arith.constant 0 : i32
      %dma_wait3A_26 = tpu.memref_slice %arg2[%dma_wait3A_24, %dma_wait3A_25] : memref<10240x128xf32, #tpu.memory_space<hbm>> -> memref<10240x128xf32, #tpu.memory_space<hbm>>
      tpu.wait_indirect_dma semaphore(%arg11 : memref<!tpu.dma_semaphore, #tpu.memory_space<semaphore_mem>>) src(%dma_wait3A_26 : memref<10240x128xf32, #tpu.memory_space<hbm>>) dst(%arg9 : memref<128x128xf32, #tpu.memory_space<vmem>>)
      "tpu.region"() ({
        %run_scoped3A = tpu.sem_alloc : memref<!tpu.dma_semaphore, #tpu.memory_space<semaphore_mem>>
        %dma_start3A_27 = arith.constant 0 : i32
        %dma_start3A_28 = tpu.memref_slice %arg8[%scan3A_16, %dma_start3A_27] : memref<80x128xi32, #tpu.memory_space<vmem>> -> memref<1x128xi32, #tpu.memory_space<vmem>>
        %dma_start3A_29 = tpu.memref_squeeze %dma_start3A_28 : memref<1x128xi32, #tpu.memory_space<vmem>> -> memref<128xi32, #tpu.memory_space<vmem>>
        %dma_start3A_30 = arith.constant 0 : i32
        %dma_start3A_31 = arith.constant 0 : i32
        %dma_start3A_32 = tpu.memref_slice %arg10[%dma_start3A_30, %dma_start3A_31] : memref<10240x128xf32, #tpu.memory_space<vmem_shared>> -> memref<10240x128xf32, #tpu.memory_space<vmem_shared>>
        tpu.enqueue_indirect_dma source(%arg9 : memref<128x128xf32, #tpu.memory_space<vmem>>) target(%dma_start3A_32 : memref<10240x128xf32, #tpu.memory_space<vmem_shared>>) offsets(%dma_start3A_29 : memref<128xi32, #tpu.memory_space<vmem>>) semaphore(%run_scoped3A : memref<!tpu.dma_semaphore, #tpu.memory_space<semaphore_mem>>) {add = true}
        %dma_wait3A_33 = arith.constant 0 : i32
        %dma_wait3A_34 = tpu.memref_slice %arg8[%scan3A_16, %dma_wait3A_33] : memref<80x128xi32, #tpu.memory_space<vmem>> -> memref<1x128xi32, #tpu.memory_space<vmem>>
        %dma_wait3A_35 = tpu.memref_squeeze %dma_wait3A_34 : memref<1x128xi32, #tpu.memory_space<vmem>> -> memref<128xi32, #tpu.memory_space<vmem>>
        %dma_wait3A_36 = arith.constant 0 : i32
        %dma_wait3A_37 = arith.constant 0 : i32
        %dma_wait3A_38 = tpu.memref_slice %arg10[%dma_wait3A_36, %dma_wait3A_37] : memref<10240x128xf32, #tpu.memory_space<vmem_shared>> -> memref<10240x128xf32, #tpu.memory_space<vmem_shared>>
        tpu.wait_indirect_dma semaphore(%run_scoped3A : memref<!tpu.dma_semaphore, #tpu.memory_space<semaphore_mem>>) src(%arg9 : memref<128x128xf32, #tpu.memory_space<vmem>>) dst(%dma_wait3A_38 : memref<10240x128xf32, #tpu.memory_space<vmem_shared>>)
        tpu.yield
      }) : () -> ()
    }
    %scan3A_7 = arith.constant 80 : i32
    %barrier3A_8 = arith.constant 0 : index
    tpu.barrier barrier_id(%barrier3A_8)
    %mul3A_9 = arith.constant 10240 : i32
    %mul3A_10 = arith.muli %arg0, %mul3A_9 : i32
    %mul3A_11 = arith.constant 640 : i32
    %mul3A_12 = arith.muli %arg1, %mul3A_11 : i32
    %add3A_13 = arith.addi %mul3A_10, %mul3A_12 : i32
    %mul3A_14 = arith.constant 640 : i32
    %mul3A_15 = arith.muli %arg1, %mul3A_14 : i32
    "tpu.region"() ({
      %run_scoped3A = tpu.sem_alloc : memref<!tpu.dma_semaphore, #tpu.memory_space<semaphore_mem>>
      %dma_start3A = arith.constant 0 : i32
      %dma_start3A_16 = tpu.memref_slice %arg6[%add3A_13, %dma_start3A] : memref<20480x128xf32, #tpu.memory_space<hbm>> -> memref<640x128xf32, #tpu.memory_space<hbm>>
      %dma_start3A_17 = arith.constant 0 : i32
      %dma_start3A_18 = tpu.memref_slice %arg10[%mul3A_15, %dma_start3A_17] : memref<10240x128xf32, #tpu.memory_space<vmem_shared>> -> memref<640x128xf32, #tpu.memory_space<vmem_shared>>
      tpu.enqueue_dma source(%dma_start3A_18 : memref<640x128xf32, #tpu.memory_space<vmem_shared>>) target(%dma_start3A_16 : memref<640x128xf32, #tpu.memory_space<hbm>>) target_semaphore(%run_scoped3A : memref<!tpu.dma_semaphore, #tpu.memory_space<semaphore_mem>>)
      %dma_wait3A = arith.constant 0 : i32
      %dma_wait3A_19 = tpu.memref_slice %arg6[%add3A_13, %dma_wait3A] : memref<20480x128xf32, #tpu.memory_space<hbm>> -> memref<640x128xf32, #tpu.memory_space<hbm>>
      %dma_wait3A_20 = arith.constant 0 : i32
      %dma_wait3A_21 = tpu.memref_slice %arg10[%mul3A_15, %dma_wait3A_20] : memref<10240x128xf32, #tpu.memory_space<vmem_shared>> -> memref<640x128xf32, #tpu.memory_space<vmem_shared>>
      tpu.wait_dma2 semaphore(%run_scoped3A : memref<!tpu.dma_semaphore, #tpu.memory_space<semaphore_mem>>) src(%dma_wait3A_21 : memref<640x128xf32, #tpu.memory_space<vmem_shared>>) dst(%dma_wait3A_19 : memref<640x128xf32, #tpu.memory_space<hbm>>)
      tpu.yield
    }) : () -> ()
    return
  }
}

#map = affine_map<(d0, d1) -> (0, 0)>
#map1 = affine_map<(d0, d1) -> (0, 0, 0)>
module attributes {stable_mosaic.version = 14 : i64} {
  func.func @k(%arg0: i32, %arg1: i32, %arg2: memref<10240x128xf32, #tpu.memory_space<hbm>>, %arg3: memref<32x80x128xi32, #tpu.memory_space<hbm>>, %arg4: memref<32x80x128xi32, #tpu.memory_space<hbm>>, %arg5: memref<640x128xf32, #tpu.memory_space<hbm>>, %arg6: memref<20480x128xf32, #tpu.memory_space<hbm>>, %arg7: memref<80x128xi32, #tpu.memory_space<vmem>>, %arg8: memref<80x128xi32, #tpu.memory_space<vmem>>, %arg9: memref<128x128xf32, #tpu.memory_space<vmem>>, %arg10: memref<10240x128xf32, #tpu.memory_space<vmem_shared>>, %arg11: memref<!tpu.dma_semaphore, #tpu.memory_space<semaphore_mem>>) attributes {dimension_semantics = [#tpu.dimension_semantics<core_parallel>, #tpu.dimension_semantics<subcore_parallel>], iteration_bounds = array<i64: 2, 16>, scalar_prefetch = 0 : i64, scratch_operands = 5 : i64, tpu.core_type = #tpu.core_type<sc_vector_subcore>, window_params = [{transform_indices = #map}, {transform_indices = #map1}, {transform_indices = #map1}, {transform_indices = #map}, {transform_indices = #map}]} {
    %mul3A = arith.constant 2 : i32
    %mul3A_0 = arith.muli %arg1, %mul3A : i32
    %add3A = arith.addi %mul3A_0, %arg0 : i32
    %mul3A_1 = arith.constant 640 : i32
    %mul3A_2 = arith.muli %arg1, %mul3A_1 : i32
    "tpu.region"() ({
      %run_scoped3A = tpu.sem_alloc : memref<!tpu.dma_semaphore, #tpu.memory_space<semaphore_mem>>
      %dma_start3A = arith.constant 0 : i32
      %dma_start3A_16 = tpu.memref_slice %arg10[%mul3A_2, %dma_start3A] : memref<10240x128xf32, #tpu.memory_space<vmem_shared>> -> memref<640x128xf32, #tpu.memory_space<vmem_shared>>
      tpu.enqueue_dma source(%arg5 : memref<640x128xf32, #tpu.memory_space<hbm>>) target(%dma_start3A_16 : memref<640x128xf32, #tpu.memory_space<vmem_shared>>) target_semaphore(%run_scoped3A : memref<!tpu.dma_semaphore, #tpu.memory_space<semaphore_mem>>)
      %dma_wait3A = arith.constant 0 : i32
      %dma_wait3A_17 = tpu.memref_slice %arg10[%mul3A_2, %dma_wait3A] : memref<10240x128xf32, #tpu.memory_space<vmem_shared>> -> memref<640x128xf32, #tpu.memory_space<vmem_shared>>
      tpu.wait_dma2 semaphore(%run_scoped3A : memref<!tpu.dma_semaphore, #tpu.memory_space<semaphore_mem>>) src(%arg5 : memref<640x128xf32, #tpu.memory_space<hbm>>) dst(%dma_wait3A_17 : memref<640x128xf32, #tpu.memory_space<vmem_shared>>)
      tpu.yield
    }) : () -> ()
    "tpu.region"() ({
      %run_scoped3A = tpu.sem_alloc : memref<!tpu.dma_semaphore, #tpu.memory_space<semaphore_mem>>
      %dma_start3A = arith.constant 0 : i32
      %dma_start3A_16 = arith.constant 0 : i32
      %dma_start3A_17 = tpu.memref_slice %arg3[%add3A, %dma_start3A, %dma_start3A_16] : memref<32x80x128xi32, #tpu.memory_space<hbm>> -> memref<1x80x128xi32, #tpu.memory_space<hbm>>
      %dma_start3A_18 = tpu.memref_squeeze %dma_start3A_17 : memref<1x80x128xi32, #tpu.memory_space<hbm>> -> memref<80x128xi32, #tpu.memory_space<hbm>>
      %dma_start3A_19 = arith.constant 0 : i32
      %dma_start3A_20 = arith.constant 0 : i32
      %dma_start3A_21 = tpu.memref_slice %arg3[%add3A, %dma_start3A_19, %dma_start3A_20] : memref<32x80x128xi32, #tpu.memory_space<hbm>> -> memref<1x80x128xi32, #tpu.memory_space<hbm>>
      %dma_start3A_22 = tpu.memref_squeeze %dma_start3A_21 : memref<1x80x128xi32, #tpu.memory_space<hbm>> -> memref<80x128xi32, #tpu.memory_space<hbm>>
      tpu.enqueue_dma source(%dma_start3A_22 : memref<80x128xi32, #tpu.memory_space<hbm>>) target(%arg7 : memref<80x128xi32, #tpu.memory_space<vmem>>) target_semaphore(%run_scoped3A : memref<!tpu.dma_semaphore, #tpu.memory_space<semaphore_mem>>)
      %dma_wait3A = arith.constant 0 : i32
      %dma_wait3A_23 = arith.constant 0 : i32
      %dma_wait3A_24 = tpu.memref_slice %arg3[%add3A, %dma_wait3A, %dma_wait3A_23] : memref<32x80x128xi32, #tpu.memory_space<hbm>> -> memref<1x80x128xi32, #tpu.memory_space<hbm>>
      %dma_wait3A_25 = tpu.memref_squeeze %dma_wait3A_24 : memref<1x80x128xi32, #tpu.memory_space<hbm>> -> memref<80x128xi32, #tpu.memory_space<hbm>>
      %dma_wait3A_26 = arith.constant 0 : i32
      %dma_wait3A_27 = arith.constant 0 : i32
      %dma_wait3A_28 = tpu.memref_slice %arg3[%add3A, %dma_wait3A_26, %dma_wait3A_27] : memref<32x80x128xi32, #tpu.memory_space<hbm>> -> memref<1x80x128xi32, #tpu.memory_space<hbm>>
      %dma_wait3A_29 = tpu.memref_squeeze %dma_wait3A_28 : memref<1x80x128xi32, #tpu.memory_space<hbm>> -> memref<80x128xi32, #tpu.memory_space<hbm>>
      tpu.wait_dma2 semaphore(%run_scoped3A : memref<!tpu.dma_semaphore, #tpu.memory_space<semaphore_mem>>) src(%dma_wait3A_29 : memref<80x128xi32, #tpu.memory_space<hbm>>) dst(%arg7 : memref<80x128xi32, #tpu.memory_space<vmem>>)
      tpu.yield
    }) : () -> ()
    "tpu.region"() ({
      %run_scoped3A = tpu.sem_alloc : memref<!tpu.dma_semaphore, #tpu.memory_space<semaphore_mem>>
      %dma_start3A = arith.constant 0 : i32
      %dma_start3A_16 = arith.constant 0 : i32
      %dma_start3A_17 = tpu.memref_slice %arg4[%add3A, %dma_start3A, %dma_start3A_16] : memref<32x80x128xi32, #tpu.memory_space<hbm>> -> memref<1x80x128xi32, #tpu.memory_space<hbm>>
      %dma_start3A_18 = tpu.memref_squeeze %dma_start3A_17 : memref<1x80x128xi32, #tpu.memory_space<hbm>> -> memref<80x128xi32, #tpu.memory_space<hbm>>
      %dma_start3A_19 = arith.constant 0 : i32
      %dma_start3A_20 = arith.constant 0 : i32
      %dma_start3A_21 = tpu.memref_slice %arg4[%add3A, %dma_start3A_19, %dma_start3A_20] : memref<32x80x128xi32, #tpu.memory_space<hbm>> -> memref<1x80x128xi32, #tpu.memory_space<hbm>>
      %dma_start3A_22 = tpu.memref_squeeze %dma_start3A_21 : memref<1x80x128xi32, #tpu.memory_space<hbm>> -> memref<80x128xi32, #tpu.memory_space<hbm>>
      tpu.enqueue_dma source(%dma_start3A_22 : memref<80x128xi32, #tpu.memory_space<hbm>>) target(%arg8 : memref<80x128xi32, #tpu.memory_space<vmem>>) target_semaphore(%run_scoped3A : memref<!tpu.dma_semaphore, #tpu.memory_space<semaphore_mem>>)
      %dma_wait3A = arith.constant 0 : i32
      %dma_wait3A_23 = arith.constant 0 : i32
      %dma_wait3A_24 = tpu.memref_slice %arg4[%add3A, %dma_wait3A, %dma_wait3A_23] : memref<32x80x128xi32, #tpu.memory_space<hbm>> -> memref<1x80x128xi32, #tpu.memory_space<hbm>>
      %dma_wait3A_25 = tpu.memref_squeeze %dma_wait3A_24 : memref<1x80x128xi32, #tpu.memory_space<hbm>> -> memref<80x128xi32, #tpu.memory_space<hbm>>
      %dma_wait3A_26 = arith.constant 0 : i32
      %dma_wait3A_27 = arith.constant 0 : i32
      %dma_wait3A_28 = tpu.memref_slice %arg4[%add3A, %dma_wait3A_26, %dma_wait3A_27] : memref<32x80x128xi32, #tpu.memory_space<hbm>> -> memref<1x80x128xi32, #tpu.memory_space<hbm>>
      %dma_wait3A_29 = tpu.memref_squeeze %dma_wait3A_28 : memref<1x80x128xi32, #tpu.memory_space<hbm>> -> memref<80x128xi32, #tpu.memory_space<hbm>>
      tpu.wait_dma2 semaphore(%run_scoped3A : memref<!tpu.dma_semaphore, #tpu.memory_space<semaphore_mem>>) src(%dma_wait3A_29 : memref<80x128xi32, #tpu.memory_space<hbm>>) dst(%arg8 : memref<80x128xi32, #tpu.memory_space<vmem>>)
      tpu.yield
    }) : () -> ()
    %barrier3A = arith.constant 0 : index
    tpu.barrier barrier_id(%barrier3A)
    %scan3A = arith.constant 0 : i32
    %scan3A_3 = arith.constant 0 : i32
    %scan3A_4 = arith.constant 80 : i32
    %scan3A_5 = arith.addi %scan3A_3, %scan3A_4 : i32
    %scan3A_6 = arith.constant 1 : i32
    scf.for %scan3A_16 = %scan3A_3 to %scan3A_5 step %scan3A_6  : i32 {
      %dma_start3A = arith.constant 0 : i32
      %dma_start3A_17 = tpu.memref_slice %arg7[%scan3A_16, %dma_start3A] : memref<80x128xi32, #tpu.memory_space<vmem>> -> memref<1x128xi32, #tpu.memory_space<vmem>>
      %dma_start3A_18 = tpu.memref_squeeze %dma_start3A_17 : memref<1x128xi32, #tpu.memory_space<vmem>> -> memref<128xi32, #tpu.memory_space<vmem>>
      %dma_start3A_19 = arith.constant 0 : i32
      %dma_start3A_20 = arith.constant 0 : i32
      %dma_start3A_21 = tpu.memref_slice %arg2[%dma_start3A_19, %dma_start3A_20] : memref<10240x128xf32, #tpu.memory_space<hbm>> -> memref<10240x128xf32, #tpu.memory_space<hbm>>
      tpu.enqueue_indirect_dma source(%dma_start3A_21 : memref<10240x128xf32, #tpu.memory_space<hbm>>) target(%arg9 : memref<128x128xf32, #tpu.memory_space<vmem>>) offsets(%dma_start3A_18 : memref<128xi32, #tpu.memory_space<vmem>>) semaphore(%arg11 : memref<!tpu.dma_semaphore, #tpu.memory_space<semaphore_mem>>)
      %dma_wait3A = arith.constant 0 : i32
      %dma_wait3A_22 = tpu.memref_slice %arg7[%scan3A_16, %dma_wait3A] : memref<80x128xi32, #tpu.memory_space<vmem>> -> memref<1x128xi32, #tpu.memory_space<vmem>>
      %dma_wait3A_23 = tpu.memref_squeeze %dma_wait3A_22 : memref<1x128xi32, #tpu.memory_space<vmem>> -> memref<128xi32, #tpu.memory_space<vmem>>
      %dma_wait3A_24 = arith.constant 0 : i32
      %dma_wait3A_25 = arith.constant 0 : i32
      %dma_wait3A_26 = tpu.memref_slice %arg2[%dma_wait3A_24, %dma_wait3A_25] : memref<10240x128xf32, #tpu.memory_space<hbm>> -> memref<10240x128xf32, #tpu.memory_space<hbm>>
      tpu.wait_indirect_dma semaphore(%arg11 : memref<!tpu.dma_semaphore, #tpu.memory_space<semaphore_mem>>) src(%dma_wait3A_26 : memref<10240x128xf32, #tpu.memory_space<hbm>>) dst(%arg9 : memref<128x128xf32, #tpu.memory_space<vmem>>)
      "tpu.region"() ({
        %run_scoped3A = tpu.sem_alloc : memref<!tpu.dma_semaphore, #tpu.memory_space<semaphore_mem>>
        %dma_start3A_27 = arith.constant 0 : i32
        %dma_start3A_28 = tpu.memref_slice %arg8[%scan3A_16, %dma_start3A_27] : memref<80x128xi32, #tpu.memory_space<vmem>> -> memref<1x128xi32, #tpu.memory_space<vmem>>
        %dma_start3A_29 = tpu.memref_squeeze %dma_start3A_28 : memref<1x128xi32, #tpu.memory_space<vmem>> -> memref<128xi32, #tpu.memory_space<vmem>>
        %dma_start3A_30 = arith.constant 0 : i32
        %dma_start3A_31 = arith.constant 0 : i32
        %dma_start3A_32 = tpu.memref_slice %arg10[%dma_start3A_30, %dma_start3A_31] : memref<10240x128xf32, #tpu.memory_space<vmem_shared>> -> memref<10240x128xf32, #tpu.memory_space<vmem_shared>>
        tpu.enqueue_indirect_dma source(%arg9 : memref<128x128xf32, #tpu.memory_space<vmem>>) target(%dma_start3A_32 : memref<10240x128xf32, #tpu.memory_space<vmem_shared>>) offsets(%dma_start3A_29 : memref<128xi32, #tpu.memory_space<vmem>>) semaphore(%run_scoped3A : memref<!tpu.dma_semaphore, #tpu.memory_space<semaphore_mem>>) {add = true}
        %dma_wait3A_33 = arith.constant 0 : i32
        %dma_wait3A_34 = tpu.memref_slice %arg8[%scan3A_16, %dma_wait3A_33] : memref<80x128xi32, #tpu.memory_space<vmem>> -> memref<1x128xi32, #tpu.memory_space<vmem>>
        %dma_wait3A_35 = tpu.memref_squeeze %dma_wait3A_34 : memref<1x128xi32, #tpu.memory_space<vmem>> -> memref<128xi32, #tpu.memory_space<vmem>>
        %dma_wait3A_36 = arith.constant 0 : i32
        %dma_wait3A_37 = arith.constant 0 : i32
        %dma_wait3A_38 = tpu.memref_slice %arg10[%dma_wait3A_36, %dma_wait3A_37] : memref<10240x128xf32, #tpu.memory_space<vmem_shared>> -> memref<10240x128xf32, #tpu.memory_space<vmem_shared>>
        tpu.wait_indirect_dma semaphore(%run_scoped3A : memref<!tpu.dma_semaphore, #tpu.memory_space<semaphore_mem>>) src(%arg9 : memref<128x128xf32, #tpu.memory_space<vmem>>) dst(%dma_wait3A_38 : memref<10240x128xf32, #tpu.memory_space<vmem_shared>>)
        tpu.yield
      }) : () -> ()
    }
    %scan3A_7 = arith.constant 80 : i32
    %barrier3A_8 = arith.constant 0 : index
    tpu.barrier barrier_id(%barrier3A_8)
    %mul3A_9 = arith.constant 10240 : i32
    %mul3A_10 = arith.muli %arg0, %mul3A_9 : i32
    %mul3A_11 = arith.constant 640 : i32
    %mul3A_12 = arith.muli %arg1, %mul3A_11 : i32
    %add3A_13 = arith.addi %mul3A_10, %mul3A_12 : i32
    %mul3A_14 = arith.constant 640 : i32
    %mul3A_15 = arith.muli %arg1, %mul3A_14 : i32
    "tpu.region"() ({
      %run_scoped3A = tpu.sem_alloc : memref<!tpu.dma_semaphore, #tpu.memory_space<semaphore_mem>>
      %dma_start3A = arith.constant 0 : i32
      %dma_start3A_16 = tpu.memref_slice %arg6[%add3A_13, %dma_start3A] : memref<20480x128xf32, #tpu.memory_space<hbm>> -> memref<640x128xf32, #tpu.memory_space<hbm>>
      %dma_start3A_17 = arith.constant 0 : i32
      %dma_start3A_18 = tpu.memref_slice %arg10[%mul3A_15, %dma_start3A_17] : memref<10240x128xf32, #tpu.memory_space<vmem_shared>> -> memref<640x128xf32, #tpu.memory_space<vmem_shared>>
      tpu.enqueue_dma source(%dma_start3A_18 : memref<640x128xf32, #tpu.memory_space<vmem_shared>>) target(%dma_start3A_16 : memref<640x128xf32, #tpu.memory_space<hbm>>) target_semaphore(%run_scoped3A : memref<!tpu.dma_semaphore, #tpu.memory_space<semaphore_mem>>)
      %dma_wait3A = arith.constant 0 : i32
      %dma_wait3A_19 = tpu.memref_slice %arg6[%add3A_13, %dma_wait3A] : memref<20480x128xf32, #tpu.memory_space<hbm>> -> memref<640x128xf32, #tpu.memory_space<hbm>>
      %dma_wait3A_20 = arith.constant 0 : i32
      %dma_wait3A_21 = tpu.memref_slice %arg10[%mul3A_15, %dma_wait3A_20] : memref<10240x128xf32, #tpu.memory_space<vmem_shared>> -> memref<640x128xf32, #tpu.memory_space<vmem_shared>>
      tpu.wait_dma2 semaphore(%run_scoped3A : memref<!tpu.dma_semaphore, #tpu.memory_space<semaphore_mem>>) src(%dma_wait3A_21 : memref<640x128xf32, #tpu.memory_space<vmem_shared>>) dst(%dma_wait3A_19 : memref<640x128xf32, #tpu.memory_space<hbm>>)
      tpu.yield
    }) : () -> ()
    return
  }
}

module attributes {stable_mosaic.version = 14 : i64} {
  func.func @body(%arg0: i32, %arg1: memref<1024x128xf32, #tpu.memory_space<vmem>>, %arg2: memref<1024x1xi32, #tpu.memory_space<vmem>>, %arg3: memref<2x1024x1xf32, #tpu.memory_space<vmem>>, %arg4: memref<128x128xf32, #tpu.memory_space<vmem>>, %arg5: memref<16x128xf32, #tpu.memory_space<vmem>>, %arg6: memref<1024x128xf32, #tpu.memory_space<vmem>>) attributes {dimension_semantics = [#tpu.dimension_semantics<arbitrary>], iteration_bounds = array<i64: 10>, scalar_prefetch = 0 : i64, scratch_operands = 0 : i64, tpu.core_type = #tpu.core_type<tc>, window_params = [{transform_indices = @transform_0, window_bounds = array<i64: 1024, 128>}, {transform_indices = @transform_1, window_bounds = array<i64: 1024, 1>}, {transform_indices = @transform_2, window_bounds = array<i64: 2, 1024, 1>}, {pipeline_mode = #tpu.pipeline_mode<synchronous>, transform_indices = @transform_3, window_bounds = array<i64: 128, 128>}, {pipeline_mode = #tpu.pipeline_mode<synchronous>, transform_indices = @transform_4, window_bounds = array<i64: 16, 128>}, {transform_indices = @transform_5, window_bounds = array<i64: 1024, 128>}]} {
    %get3A = arith.constant 0 : index
    %get3A_0 = arith.constant 0 : index
    %get3A_1 = arith.constant 0 : index
    %get3A_2 = vector.load %arg3[%get3A, %get3A_0, %get3A_1] : memref<2x1024x1xf32, #tpu.memory_space<vmem>>, vector<1x1024x1xf32>
    %get3A_3 = vector.shape_cast %get3A_2 : vector<1x1024x1xf32> to vector<1024x1xf32>
    %get3A_4 = arith.constant 1 : index
    %get3A_5 = arith.constant 0 : index
    %get3A_6 = arith.constant 0 : index
    %get3A_7 = vector.load %arg3[%get3A_4, %get3A_5, %get3A_6] : memref<2x1024x1xf32, #tpu.memory_space<vmem>>, vector<1x1024x1xf32>
    %get3A_8 = vector.shape_cast %get3A_7 : vector<1x1024x1xf32> to vector<1024x1xf32>
    %add3A = arith.addf %get3A_3, %get3A_8 : vector<1024x1xf32>
    %add3A_9 = arith.constant 1.000000e+00 : f32
    %add3A_10 = vector.broadcast %add3A_9 : f32 to vector<1024x1xf32>
    %add3A_11 = arith.addf %add3A, %add3A_10 : vector<1024x1xf32>
    %rsqrt3A = math.rsqrt %add3A_11 : vector<1024x1xf32>
    %get3A_12 = arith.constant 0 : index
    %get3A_13 = arith.constant 0 : index
    %get3A_14 = vector.load %arg1[%get3A_12, %get3A_13] : memref<1024x128xf32, #tpu.memory_space<vmem>>, vector<1024x128xf32>
    %get3A_15 = arith.constant 0 : index
    %get3A_16 = arith.constant 0 : index
    %get3A_17 = vector.load %arg4[%get3A_15, %get3A_16] : memref<128x128xf32, #tpu.memory_space<vmem>>, vector<128x128xf32>
    %dot_general3A = arith.constant dense<0.000000e+00> : vector<1024x128xf32>
    %dot_general3A_18 = tpu.matmul %get3A_14, %get3A_17, %dot_general3A {dimension_numbers = #tpu.dot_dimension_numbers<[1], [0], [0], [1], [0, 0, 1, 1], [], []>, transpose_lhs_hint = false} : vector<1024x128xf32>, vector<128x128xf32>, vector<1024x128xf32> -> vector<1024x128xf32>
    %iota3A = tpu.iota {dimensions = array<i32: 1>} : vector<1024x16xi32>
    %get3A_19 = arith.constant 0 : index
    %get3A_20 = arith.constant 0 : index
    %get3A_21 = vector.load %arg2[%get3A_19, %get3A_20] : memref<1024x1xi32, #tpu.memory_space<vmem>>, vector<1024x1xi32>
    %eq3A = vector.broadcast %get3A_21 : vector<1024x1xi32> to vector<1024x16xi32>
    %eq3A_22 = arith.cmpi eq, %eq3A, %iota3A : vector<1024x16xi32>
    %convert_element_type3A = arith.extui %eq3A_22 : vector<1024x16xi1> to vector<1024x16xi32>
    %convert_element_type3A_23 = arith.sitofp %convert_element_type3A : vector<1024x16xi32> to vector<1024x16xf32>
    %get3A_24 = arith.constant 0 : index
    %get3A_25 = arith.constant 0 : index
    %get3A_26 = vector.load %arg5[%get3A_24, %get3A_25] : memref<16x128xf32, #tpu.memory_space<vmem>>, vector<16x128xf32>
    %dot_general3A_27 = arith.constant dense<0.000000e+00> : vector<1024x128xf32>
    %dot_general3A_28 = tpu.matmul %convert_element_type3A_23, %get3A_26, %dot_general3A_27 {dimension_numbers = #tpu.dot_dimension_numbers<[1], [0], [0], [1], [0, 0, 1, 1], [], []>, transpose_lhs_hint = false} : vector<1024x16xf32>, vector<16x128xf32>, vector<1024x128xf32> -> vector<1024x128xf32>
    %add3A_29 = arith.addf %dot_general3A_18, %dot_general3A_28 : vector<1024x128xf32>
    %mul3A = vector.broadcast %rsqrt3A : vector<1024x1xf32> to vector<1024x128xf32>
    %mul3A_30 = arith.mulf %mul3A, %add3A_29 : vector<1024x128xf32>
    %swap3A = arith.constant 0 : index
    %swap3A_31 = arith.constant 0 : index
    %swap3A_32 = vector.load %arg6[%swap3A, %swap3A_31] : memref<1024x128xf32, #tpu.memory_space<vmem>>, vector<1024x128xf32>
    tpu.vector_store %arg6[%swap3A, %swap3A_31], %mul3A_30 {strides = array<i32>} : memref<1024x128xf32, #tpu.memory_space<vmem>>, vector<1024x128xf32>,
    return
  }
  func.func @transform_0(%arg0: i32) -> (i32, i32) {
    %c0_i32 = arith.constant 0 : i32
    %c0_i32_0 = arith.constant 0 : i32
    return %arg0, %c0_i32 : i32, i32
  }
  func.func @transform_1(%arg0: i32) -> (i32, i32) {
    %c0_i32 = arith.constant 0 : i32
    %c0_i32_0 = arith.constant 0 : i32
    return %arg0, %c0_i32 : i32, i32
  }
  func.func @transform_2(%arg0: i32) -> (i32, i32, i32) {
    %c0_i32 = arith.constant 0 : i32
    %c0_i32_0 = arith.constant 0 : i32
    %c0_i32_1 = arith.constant 0 : i32
    return %c0_i32, %arg0, %c0_i32_0 : i32, i32, i32
  }
  func.func @transform_3(%arg0: i32) -> (i32, i32) {
    %c0_i32 = arith.constant 0 : i32
    %c0_i32_0 = arith.constant 0 : i32
    %c0_i32_1 = arith.constant 0 : i32
    return %c0_i32, %c0_i32_0 : i32, i32
  }
  func.func @transform_4(%arg0: i32) -> (i32, i32) {
    %c0_i32 = arith.constant 0 : i32
    %c0_i32_0 = arith.constant 0 : i32
    %c0_i32_1 = arith.constant 0 : i32
    return %c0_i32, %c0_i32_0 : i32, i32
  }
  func.func @transform_5(%arg0: i32) -> (i32, i32) {
    %c0_i32 = arith.constant 0 : i32
    %c0_i32_0 = arith.constant 0 : i32
    return %arg0, %c0_i32 : i32, i32
  }
}

module attributes {stable_mosaic.version = 14 : i64} {
  func.func @body(%arg0: i32, %arg1: memref<2x1024x128xf32, #tpu.memory_space<vmem>>, %arg2: memref<1024x128xf32, #tpu.memory_space<vmem>>, %arg3: memref<2x1024x1xf32, #tpu.memory_space<vmem>>, %arg4: memref<128x128xf32, #tpu.memory_space<vmem>>, %arg5: memref<1x128xf32, #tpu.memory_space<vmem>>, %arg6: memref<1024x128xf32, #tpu.memory_space<vmem>>) attributes {dimension_semantics = [#tpu.dimension_semantics<arbitrary>], iteration_bounds = array<i64: 10>, scalar_prefetch = 0 : i64, scratch_operands = 0 : i64, tpu.core_type = #tpu.core_type<tc>, window_params = [{transform_indices = @transform_0, window_bounds = array<i64: 2, 1024, 128>}, {transform_indices = @transform_1, window_bounds = array<i64: 1024, 128>}, {transform_indices = @transform_2, window_bounds = array<i64: 2, 1024, 1>}, {pipeline_mode = #tpu.pipeline_mode<synchronous>, transform_indices = @transform_3, window_bounds = array<i64: 128, 128>}, {pipeline_mode = #tpu.pipeline_mode<synchronous>, transform_indices = @transform_4, window_bounds = array<i64: 1, 128>}, {transform_indices = @transform_5, window_bounds = array<i64: 1024, 128>}]} {
    %get3A = arith.constant 0 : index
    %get3A_0 = arith.constant 0 : index
    %get3A_1 = arith.constant 0 : index
    %get3A_2 = vector.load %arg3[%get3A, %get3A_0, %get3A_1] : memref<2x1024x1xf32, #tpu.memory_space<vmem>>, vector<1x1024x1xf32>
    %get3A_3 = vector.shape_cast %get3A_2 : vector<1x1024x1xf32> to vector<1024x1xf32>
    %get3A_4 = arith.constant 1 : index
    %get3A_5 = arith.constant 0 : index
    %get3A_6 = arith.constant 0 : index
    %get3A_7 = vector.load %arg3[%get3A_4, %get3A_5, %get3A_6] : memref<2x1024x1xf32, #tpu.memory_space<vmem>>, vector<1x1024x1xf32>
    %get3A_8 = vector.shape_cast %get3A_7 : vector<1x1024x1xf32> to vector<1024x1xf32>
    %add3A = arith.addf %get3A_3, %get3A_8 : vector<1024x1xf32>
    %add3A_9 = arith.constant 1.000000e+00 : f32
    %add3A_10 = vector.broadcast %add3A_9 : f32 to vector<1024x1xf32>
    %add3A_11 = arith.addf %add3A, %add3A_10 : vector<1024x1xf32>
    %rsqrt3A = math.rsqrt %add3A_11 : vector<1024x1xf32>
    %get3A_12 = arith.constant 0 : index
    %get3A_13 = arith.constant 0 : index
    %get3A_14 = arith.constant 0 : index
    %get3A_15 = vector.load %arg1[%get3A_12, %get3A_13, %get3A_14] : memref<2x1024x128xf32, #tpu.memory_space<vmem>>, vector<1x1024x128xf32>
    %get3A_16 = vector.shape_cast %get3A_15 : vector<1x1024x128xf32> to vector<1024x128xf32>
    %get3A_17 = arith.constant 1 : index
    %get3A_18 = arith.constant 0 : index
    %get3A_19 = arith.constant 0 : index
    %get3A_20 = vector.load %arg1[%get3A_17, %get3A_18, %get3A_19] : memref<2x1024x128xf32, #tpu.memory_space<vmem>>, vector<1x1024x128xf32>
    %get3A_21 = vector.shape_cast %get3A_20 : vector<1x1024x128xf32> to vector<1024x128xf32>
    %add3A_22 = arith.addf %get3A_16, %get3A_21 : vector<1024x128xf32>
    %get3A_23 = arith.constant 0 : index
    %get3A_24 = arith.constant 0 : index
    %get3A_25 = vector.load %arg2[%get3A_23, %get3A_24] : memref<1024x128xf32, #tpu.memory_space<vmem>>, vector<1024x128xf32>
    %add3A_26 = arith.addf %add3A_22, %get3A_25 : vector<1024x128xf32>
    %mul3A = vector.broadcast %rsqrt3A : vector<1024x1xf32> to vector<1024x128xf32>
    %mul3A_27 = arith.mulf %mul3A, %add3A_26 : vector<1024x128xf32>
    %get3A_28 = arith.constant 0 : index
    %get3A_29 = arith.constant 0 : index
    %get3A_30 = vector.load %arg5[%get3A_28, %get3A_29] : memref<1x128xf32, #tpu.memory_space<vmem>>, vector<1x128xf32>
    %add3A_31 = vector.broadcast %get3A_30 : vector<1x128xf32> to vector<1024x128xf32>
    %add3A_32 = arith.addf %mul3A_27, %add3A_31 : vector<1024x128xf32>
    %max3A = arith.constant 0.000000e+00 : f32
    %max3A_33 = vector.broadcast %max3A : f32 to vector<1024x128xf32>
    %max3A_34 = arith.maximumf %add3A_32, %max3A_33 : vector<1024x128xf32>
    %get3A_35 = arith.constant 0 : index
    %get3A_36 = arith.constant 0 : index
    %get3A_37 = vector.load %arg4[%get3A_35, %get3A_36] : memref<128x128xf32, #tpu.memory_space<vmem>>, vector<128x128xf32>
    %dot_general3A = arith.constant dense<0.000000e+00> : vector<1024x128xf32>
    %dot_general3A_38 = tpu.matmul %max3A_34, %get3A_37, %dot_general3A {dimension_numbers = #tpu.dot_dimension_numbers<[1], [0], [0], [1], [0, 0, 1, 1], [], []>, transpose_lhs_hint = false} : vector<1024x128xf32>, vector<128x128xf32>, vector<1024x128xf32> -> vector<1024x128xf32>
    %mul3A_39 = vector.broadcast %rsqrt3A : vector<1024x1xf32> to vector<1024x128xf32>
    %mul3A_40 = arith.mulf %mul3A_39, %dot_general3A_38 : vector<1024x128xf32>
    %swap3A = arith.constant 0 : index
    %swap3A_41 = arith.constant 0 : index
    %swap3A_42 = vector.load %arg6[%swap3A, %swap3A_41] : memref<1024x128xf32, #tpu.memory_space<vmem>>, vector<1024x128xf32>
    tpu.vector_store %arg6[%swap3A, %swap3A_41], %mul3A_40 {strides = array<i32>} : memref<1024x128xf32, #tpu.memory_space<vmem>>, vector<1024x128xf32>,
    return
  }
  func.func @transform_0(%arg0: i32) -> (i32, i32, i32) {
    %c0_i32 = arith.constant 0 : i32
    %c0_i32_0 = arith.constant 0 : i32
    %c0_i32_1 = arith.constant 0 : i32
    return %c0_i32, %arg0, %c0_i32_0 : i32, i32, i32
  }
  func.func @transform_1(%arg0: i32) -> (i32, i32) {
    %c0_i32 = arith.constant 0 : i32
    %c0_i32_0 = arith.constant 0 : i32
    return %arg0, %c0_i32 : i32, i32
  }
  func.func @transform_2(%arg0: i32) -> (i32, i32, i32) {
    %c0_i32 = arith.constant 0 : i32
    %c0_i32_0 = arith.constant 0 : i32
    %c0_i32_1 = arith.constant 0 : i32
    return %c0_i32, %arg0, %c0_i32_0 : i32, i32, i32
  }
  func.func @transform_3(%arg0: i32) -> (i32, i32) {
    %c0_i32 = arith.constant 0 : i32
    %c0_i32_0 = arith.constant 0 : i32
    %c0_i32_1 = arith.constant 0 : i32
    return %c0_i32, %c0_i32_0 : i32, i32
  }
  func.func @transform_4(%arg0: i32) -> (i32, i32) {
    %c0_i32 = arith.constant 0 : i32
    %c0_i32_0 = arith.constant 0 : i32
    %c0_i32_1 = arith.constant 0 : i32
    return %c0_i32, %c0_i32_0 : i32, i32
  }
  func.func @transform_5(%arg0: i32) -> (i32, i32) {
    %c0_i32 = arith.constant 0 : i32
    %c0_i32_0 = arith.constant 0 : i32
    return %arg0, %c0_i32 : i32, i32
  }
}

module attributes {stable_mosaic.version = 14 : i64} {
  func.func @body(%arg0: i32, %arg1: memref<2x1024x128xf32, #tpu.memory_space<vmem>>, %arg2: memref<1024x128xf32, #tpu.memory_space<vmem>>, %arg3: memref<2x1024x1xf32, #tpu.memory_space<vmem>>, %arg4: memref<1x128xf32, #tpu.memory_space<vmem>>, %arg5: memref<1024x128xf32, #tpu.memory_space<vmem>>) attributes {dimension_semantics = [#tpu.dimension_semantics<arbitrary>], iteration_bounds = array<i64: 10>, scalar_prefetch = 0 : i64, scratch_operands = 0 : i64, tpu.core_type = #tpu.core_type<tc>, window_params = [{transform_indices = @transform_0, window_bounds = array<i64: 2, 1024, 128>}, {transform_indices = @transform_1, window_bounds = array<i64: 1024, 128>}, {transform_indices = @transform_2, window_bounds = array<i64: 2, 1024, 1>}, {pipeline_mode = #tpu.pipeline_mode<synchronous>, transform_indices = @transform_3, window_bounds = array<i64: 1, 128>}, {transform_indices = @transform_4, window_bounds = array<i64: 1024, 128>}]} {
    %get3A = arith.constant 0 : index
    %get3A_0 = arith.constant 0 : index
    %get3A_1 = arith.constant 0 : index
    %get3A_2 = vector.load %arg3[%get3A, %get3A_0, %get3A_1] : memref<2x1024x1xf32, #tpu.memory_space<vmem>>, vector<1x1024x1xf32>
    %get3A_3 = vector.shape_cast %get3A_2 : vector<1x1024x1xf32> to vector<1024x1xf32>
    %get3A_4 = arith.constant 1 : index
    %get3A_5 = arith.constant 0 : index
    %get3A_6 = arith.constant 0 : index
    %get3A_7 = vector.load %arg3[%get3A_4, %get3A_5, %get3A_6] : memref<2x1024x1xf32, #tpu.memory_space<vmem>>, vector<1x1024x1xf32>
    %get3A_8 = vector.shape_cast %get3A_7 : vector<1x1024x1xf32> to vector<1024x1xf32>
    %add3A = arith.addf %get3A_3, %get3A_8 : vector<1024x1xf32>
    %add3A_9 = arith.constant 1.000000e+00 : f32
    %add3A_10 = vector.broadcast %add3A_9 : f32 to vector<1024x1xf32>
    %add3A_11 = arith.addf %add3A, %add3A_10 : vector<1024x1xf32>
    %rsqrt3A = math.rsqrt %add3A_11 : vector<1024x1xf32>
    %get3A_12 = arith.constant 0 : index
    %get3A_13 = arith.constant 0 : index
    %get3A_14 = arith.constant 0 : index
    %get3A_15 = vector.load %arg1[%get3A_12, %get3A_13, %get3A_14] : memref<2x1024x128xf32, #tpu.memory_space<vmem>>, vector<1x1024x128xf32>
    %get3A_16 = vector.shape_cast %get3A_15 : vector<1x1024x128xf32> to vector<1024x128xf32>
    %get3A_17 = arith.constant 1 : index
    %get3A_18 = arith.constant 0 : index
    %get3A_19 = arith.constant 0 : index
    %get3A_20 = vector.load %arg1[%get3A_17, %get3A_18, %get3A_19] : memref<2x1024x128xf32, #tpu.memory_space<vmem>>, vector<1x1024x128xf32>
    %get3A_21 = vector.shape_cast %get3A_20 : vector<1x1024x128xf32> to vector<1024x128xf32>
    %add3A_22 = arith.addf %get3A_16, %get3A_21 : vector<1024x128xf32>
    %get3A_23 = arith.constant 0 : index
    %get3A_24 = arith.constant 0 : index
    %get3A_25 = vector.load %arg2[%get3A_23, %get3A_24] : memref<1024x128xf32, #tpu.memory_space<vmem>>, vector<1024x128xf32>
    %add3A_26 = arith.addf %add3A_22, %get3A_25 : vector<1024x128xf32>
    %mul3A = vector.broadcast %rsqrt3A : vector<1024x1xf32> to vector<1024x128xf32>
    %mul3A_27 = arith.mulf %mul3A, %add3A_26 : vector<1024x128xf32>
    %get3A_28 = arith.constant 0 : index
    %get3A_29 = arith.constant 0 : index
    %get3A_30 = vector.load %arg4[%get3A_28, %get3A_29] : memref<1x128xf32, #tpu.memory_space<vmem>>, vector<1x128xf32>
    %add3A_31 = vector.broadcast %get3A_30 : vector<1x128xf32> to vector<1024x128xf32>
    %add3A_32 = arith.addf %mul3A_27, %add3A_31 : vector<1024x128xf32>
    %swap3A = arith.constant 0 : index
    %swap3A_33 = arith.constant 0 : index
    %swap3A_34 = vector.load %arg5[%swap3A, %swap3A_33] : memref<1024x128xf32, #tpu.memory_space<vmem>>, vector<1024x128xf32>
    tpu.vector_store %arg5[%swap3A, %swap3A_33], %add3A_32 {strides = array<i32>} : memref<1024x128xf32, #tpu.memory_space<vmem>>, vector<1024x128xf32>,
    return
  }
  func.func @transform_0(%arg0: i32) -> (i32, i32, i32) {
    %c0_i32 = arith.constant 0 : i32
    %c0_i32_0 = arith.constant 0 : i32
    %c0_i32_1 = arith.constant 0 : i32
    return %c0_i32, %arg0, %c0_i32_0 : i32, i32, i32
  }
  func.func @transform_1(%arg0: i32) -> (i32, i32) {
    %c0_i32 = arith.constant 0 : i32
    %c0_i32_0 = arith.constant 0 : i32
    return %arg0, %c0_i32 : i32, i32
  }
  func.func @transform_2(%arg0: i32) -> (i32, i32, i32) {
    %c0_i32 = arith.constant 0 : i32
    %c0_i32_0 = arith.constant 0 : i32
    %c0_i32_1 = arith.constant 0 : i32
    return %c0_i32, %arg0, %c0_i32_0 : i32, i32, i32
  }
  func.func @transform_3(%arg0: i32) -> (i32, i32) {
    %c0_i32 = arith.constant 0 : i32
    %c0_i32_0 = arith.constant 0 : i32
    %c0_i32_1 = arith.constant 0 : i32
    return %c0_i32, %c0_i32_0 : i32, i32
  }
  func.func @transform_4(%arg0: i32) -> (i32, i32) {
    %c0_i32 = arith.constant 0 : i32
    %c0_i32_0 = arith.constant 0 : i32
    return %arg0, %c0_i32 : i32, i32
  }
}

</mosaic_0001>

<sc_bundles>
// kernel: kernel.11.cloned.1.call-start
scs
__scs_entry_jumppad:
0x0: {  	(pc) =	sbr.rel $0x88, $3  }
0x1: {  	(tag) =	ssettag $0x0;
	lr =	simm.s32 $0x1  }
0x2: {  	[smem:$0x3F9A] =	sst lr;
	_ =	strace $0xD0000000  }
0x3: {  	_ = 	snop  }
0x4: {  	_ = 	snop  }
0x5: {  	_ = 	snop  }
0x6: {  	_ = 	snop  }
0x7: {  	_ = 	snop  }
__scs_overlays_trampoline_lowered:
0x8: {  	[smem:$0x3FA9] =	sst s0  }
0x9: {  	[smem:$0x3FAA] =	sst s1  }
0xa: {  	[smem:$0x3FAB] =	sst s2  }
0xb: {  	[smem:$0x3FAC] =	sst s3  }
0xc: {  	[smem:$0x3FAD] =	sst s4  }
0xd: {  	[smem:$0x3FAE] =	sst s5  }
0xe: {  	[smem:$0x3FAF] =	sst s6  }
0xf: {  	[smem:$0x3FB0] =	sst s7  }
0x10: {  	[smem:$0x3FB1] =	sst s8  }
0x11: {  	[smem:$0x3FB2] =	sst s9;
	s0 =	simm.s32 @!p0 $0x0  }
0x12: {  	s1 =	sld [smem:$0x3F98];
	s0 =	simm.s32 @p0 $0x1  }
0x13: {  	[smem:$0x3FB3] =	sst s0;
	s0 =	simm.s32 @!p1 $0x0  }
0x14: {  	s2 =	sld [smem:$0x3F97];
	s0 =	simm.s32 @p1 $0x1  }
0x15: {  	[smem:$0x3FB4] =	sst s0;
	s0 =	simm.s32 @!p2 $0x0  }
0x16: {  	s3 =	sld [smem:$0x3FDB];
	s0 =	simm.s32 @p2 $0x1  }
0x17: {  	s4 =	simm.s32 $0x1BF5;
	[smem:$0x3FB6] =	sst s0  }
0x18: {  	s0 =	sld [smem:$0x3F99];
	_ =	swait.ge [sflag:s4], $0x0  }
0x19: {  	s7 =	sld [smem:$0x3F9A]  }
0x1a: {  	s8 =	sadd.s32 $0xFFFFE003, lr  }
0x1b: {  	s9 =	sadd.s32 $0xFFFFFEF7, lr;
	s5 =	simm.s32 $0xFFFFFFFF;
	p2 =	slt.u32 s8, $0xFFFFF086  }
0x1c: {  	p1 =	slt.u32 s9, $0xF7A;
	s5 =	simm.s32 @!p2 $0x0  }
0x1d: {  	s5 =	simm.s32 @p1 $0x1;
	p0 =	seq.s32 s7, s2  }
0x1e: {  	s7 =	smul.u32 @!p0 $0xF7A, s2;
	p2 =	seq.s32 @!p0 s5, $0x0  }
0x1f: {  	s9 =	smul.u32 $0xF7A, s1;
	s8 =	simm.s32 @!p0 $0x1BF5;
	p2 =	por !p2, p0  }
0x20: {  	[sflag:s8] =	ssyncset.s32 @!p0 $0xFFFFF086;
	s6 =	sadd.s32 @!p0 s3, s7;
	s7 =	simm.s32 @!p0 $0x108  }
0x21: {  	s3 =	sadd.s32 s3, s9;
	s6 =	sadd.s32 @!p0 $0x88, s6;
	s7 =	simm.s32 @p2 $0x1082  }
0x22: {  	[simem:s7], [sflag:s8] =	dma.local @!p0 [hbm:s6], $0xF7A  }
0x23: {  	s9 =	sor.u32 $0xD0000000, s2;
	s6 =	simm.s32 $0x108;
	_ =	swait.ge @!p0 [sflag:s8], $0x0  }
0x24: {  	s3 =	sadd.s32 $0x88, s3;
	s6 =	simm.s32 @!p1 $0x1082;
	[sflag:s4] =	ssyncset.s32 $0xFFFFF086  }
0x25: {  	[simem:s6], [sflag:s4] =	dma.local [hbm:s3], $0xF7A  }
0x26: {  	[smem:$0x3F9A] =	sst s1;
	(tag) =	ssettag s2;
	_ =	strace s9  }
0x27: {  	s1 =	sld [smem:$0x3FAA]  }
0x28: {  	s2 =	sld [smem:$0x3FAB]  }
0x29: {  	s4 =	sld [smem:$0x3FAD]  }
0x2a: {  	p0 =	seq.s32 s5, $0x0;
	s5 =	sld [smem:$0x3FAE]  }
0x2b: {  	s6 =	sld [smem:$0x3FAF]  }
0x2c: {  	s7 =	sld [smem:$0x3FB0]  }
0x2d: {  	s3 =	simm.s32 $0x108;
	s8 =	sld [smem:$0x3FB1]  }
0x2e: {  	s3 =	simm.s32 @!p0 $0x1082;
	s9 =	sld [smem:$0x3FB2]  }
0x2f: {  	lr =	sadd.s32 s0, s3;
	s0 =	sld [smem:$0x3FA9]  }
0x30: {  	s3 =	sld [smem:$0x3FAC]  }
0x31: {  	[smem:$0x3FB5] =	sst s10  }
0x32: {  	s10 =	sld [smem:$0x3FB3];
	_ =	sdelay $0x3  }
0x33: {  	p0 =	seq.s32 s10, $0x1;
	s10 =	sld [smem:$0x3FB5];
	_ =	sdelay $0x3  }
0x34: {  	[smem:$0x3FB5] =	sst s10  }
0x35: {  	s10 =	sld [smem:$0x3FB4];
	_ =	sdelay $0x3  }
0x36: {  	p1 =	seq.s32 s10, $0x1;
	s10 =	sld [smem:$0x3FB5];
	_ =	sdelay $0x3  }
0x37: {  	[smem:$0x3FB5] =	sst s10  }
0x38: {  	s10 =	sld [smem:$0x3FB6]  }
0x39: {  	_ = 	snop;
	(pc) =	sbr.ind lr, $3  }
0x3a: {  	_ = 	snop  }
0x3b: {  	_ = 	snop  }
0x3c: {  	p2 =	seq.s32 s10, $0x1;
	s10 =	sld [smem:$0x3FB5]  }
0x3d: {  	_ =	shalt  }
0x3e: {  	_ =	shalt  }
0x3f: {  	_ =	shalt  }
0x40: {  	_ =	shalt  }
0x41: {  	_ =	shalt  }
0x42: {  	_ =	shalt  }
0x43: {  	_ =	shalt  }
0x44: {  	_ =	shalt  }
0x45: {  	_ =	shalt  }
0x46: {  	_ =	shalt  }
0x47: {  	_ =	shalt  }
0x48: {  	_ =	shalt  }
0x49: {  	_ =	shalt  }
0x4a: {  	_ =	shalt  }
0x4b: {  	_ =	shalt  }
0x4c: {  	_ =	shalt  }
0x4d: {  	_ =	shalt  }
0x4e: {  	_ =	shalt  }
0x4f: {  	_ =	shalt  }
0x50: {  	_ =	shalt  }
0x51: {  	_ =	shalt  }
0x52: {  	_ =	shalt  }
0x53: {  	_ =	shalt  }
0x54: {  	_ =	shalt  }
0x55: {  	_ =	shalt  }
0x56: {  	_ =	shalt  }
0x57: {  	_ =	shalt  }
0x58: {  	_ =	shalt  }
0x59: {  	_ =	shalt  }
0x5a: {  	_ =	shalt  }
0x5b: {  	_ =	shalt  }
0x5c: {  	_ =	shalt  }
0x5d: {  	_ =	shalt  }
0x5e: {  	_ =	shalt  }
0x5f: {  	_ =	shalt  }
0x60: {  	_ =	shalt  }
0x61: {  	_ =	shalt  }
0x62: {  	_ =	shalt  }
0x63: {  	_ =	shalt  }
0x64: {  	_ =	shalt  }
0x65: {  	_ =	shalt  }
0x66: {  	_ =	shalt  }
0x67: {  	_ =	shalt  }
0x68: {  	_ =	shalt  }
0x69: {  	_ =	shalt  }
0x6a: {  	_ =	shalt  }
0x6b: {  	_ =	shalt  }
0x6c: {  	_ =	shalt  }
0x6d: {  	_ =	shalt  }
0x6e: {  	_ =	shalt  }
0x6f: {  	_ =	shalt  }
0x70: {  	_ =	shalt  }
0x71: {  	_ =	shalt  }
0x72: {  	_ =	shalt  }
0x73: {  	_ =	shalt  }
0x74: {  	_ =	shalt  }
0x75: {  	_ =	shalt  }
0x76: {  	_ =	shalt  }
0x77: {  	_ =	shalt  }
0x78: {  	_ =	shalt  }
0x79: {  	_ =	shalt  }
0x7a: {  	_ =	shalt  }
0x7b: {  	_ =	shalt  }
0x7c: {  	_ =	shalt  }
0x7d: {  	_ =	shalt  }
0x7e: {  	_ =	shalt  }
0x7f: {  	_ =	shalt  }
0x80: {  	_ =	shalt  }
0x81: {  	_ =	shalt  }
0x82: {  	_ =	shalt  }
0x83: {  	_ =	shalt  }
0x84: {  	_ =	shalt  }
0x85: {  	_ =	shalt  }
0x86: {  	_ =	shalt  }
0x87: {  	_ =	shalt  }
.Lfunc_end0:
.L_simem_size_0:
called_computation.1_lowered:
.L_overlay_start_0:
0x88: {  	s2 =	sld [smem:$0x3FD9]  }
0x89: {  	s3 =	sld [smem:$0x3FFE];
	_ =	sdelay $0x1  }
0x8a: {  	s1 =	srdreg.scid  }
0x8b: {  	s0 =	sand.u32 $0x1, s1  }
0x8c: {  	s17 =	sshll.u32 s0, $0xA;
	s2 =	sadd.s32 s3, s2  }
0x8d: {  	s2 =	sadd.s32 s2, s17  }
0x8e: {  	[smem:$0x3FC1] =	sst s2  }
0x8f: {  	_ = 	snop  }
0x90: {  	s2 =	sld [smem:$0x3FD0];
	(tm) =	ssettm $0x1  }
0x91: {  	s18 =	sld [smem:$0x3FFB];
	_ =	sdelay $0x3  }
0x92: {  	_ =	strace s18  }
0x93: {  	s3 =	sld [smem:$0x3FFC];
	_ =	sdelay $0x3  }
0x94: {  	_ =	strace s3  }
0x95: {  	s3 =	sld [smem:$0x3FFD];
	_ =	sdelay $0x3  }
0x96: {  	_ =	strace s3  }
0x97: {  	_ =	strace $0x8FFFFFFF  }
0x98: {  	s19 =	sld [smem:$0x3FDB];
	_ =	sdelay $0x1  }
0x99: {  	s4 =	simm.s32 $_scs_section_size  }
0x9a: {  	s5 =	simm.s32 $_size__tile_overlayer_lowered;
	s6 =	simm.s32 $_tile_overlayer_lowered  }
0x9b: {  	s22 =	simm.s32 $0x1BFF;
	s21 =	sshll.u32 s6, $0x1;
	s3 =	sadd.s32 s4, s19  }
0x9c: {  	s7 =	simm.s32 $0x0;
	s20 =	sshll.u32 s5, $0x1;
	s5 =	sadd.s32 s21, s3  }
0x9d: {  	[timem:s7], [sflag:s22] =	dma.local [hbm:s5], s20  }
0x9e: {  	_ =	swait.ge [sflag:s22], s20  }
0x9f: {  	s4 =	ssub.s32 $0x0, s20;
	[sflag:s22] =	ssyncset.done $0x0  }
0xa0: {  	[sflag:s22] =	ssyncadd.s32 s4;
	_ =	sdelay $0x1  }
0xa1: {  	s23 =	simm.s32 $0x1B8B  }
0xa2: {  	_ =	swait.ge [sflag:s23], $0x1  }
0xa3: {  	[sflag:s23] =	ssyncset.done $0x0  }
0xa4: {  	s25 =	simm.s32 $0x1B8E;
	s24 =	sld [smem:$0x3FFE];
	[sflag:s23] =	ssyncadd.s32 $0xFFFFFFFF  }
0xa5: {  	s26 =	simm.s32 $execute0_lowered;
	[smem:$0x3FD2] =	sst s25  }
0xa6: {  	s5 =	sshll.u32 s26, $0x1;
	_ =	strace $0x80000049;
	[dreg:$0x1] =	wrdreg $0xFFFFFFFF  }
0xa7: {  	s28 =	simm.s32 $_size_execute0_lowered;
	s3 =	sadd.s32 s3, s5;
	[dreg:$0x0] =	wrdreg $0x0  }
0xa8: {  	s5 =	sshll.u32 s28, $0x1;
	[dreg:$0x2] =	wrdreg s3  }
0xa9: {  	[dreg:$0x3] =	wrdreg s5  }
0xaa: {  	[dreg:$0x4] =	wrdreg $0xC0  }
0xab: {  	_ =	task [dreg:s7], $0x5FFFF  }
0xac: {  	[dreg:$0x1] =	wrdreg $0xFFFFFFFF  }
0xad: {  	[dreg:$0x0] =	wrdreg $0x60  }
0xae: {  	[dreg:$0x2] =	wrdreg s24  }
0xaf: {  	[dreg:$0x3] =	wrdreg s2  }
0xb0: {  	[dreg:$0x4] =	wrdreg $0x90000  }
0xb1: {  	[dreg:$0x5] =	wrdreg $0x9  }
0xb2: {  	_ =	task.clear_ibuf [dreg:s7], $0x6FFFF;
	_ =	strace $0x90000049  }
0xb3: {  	s29 =	simm.s32 $0x9;
	_ =	strace $0x8000004B  }
0xb4: {  	_ =	swait.ge [sflag:s29], $0x1  }
0xb5: {  	[sflag:s29] =	ssyncadd.s32 $0xFFFFFFFF  }
0xb6: {  	_ =	strace $0x9000004B  }
0xb7: {  	_ =	sfence  }
0xb8: {  	s30 =	sld [smem:$0x0];
	_ =	sdelay $0x2  }
0xb9: {  	s31 =	sshll.u32 s1, $0xD;
	s1 =	sshrl.u32 s1, $0x2  }
0xba: {  	s3 =	sand.u32 $0x4000, s31;
	s1 =	sadd.s32 s1, s30  }
0xbb: {  	s0 =	sor.u32 s3, s0;
	s1 =	sshll.u32 s1, $0x11  }
0xbc: {  	s0 =	sor.u32 s1, s0  }
0xbd: {  	s0 =	sadd.s32 $0x8F2B, s0  }
0xbe: {  	[sflag:s0] =	ssyncadd.remote.s32 $0x1  }
0xbf: {  	_ =	sfence.sel $0xFFFF  }
0xc0: {  	[dreg:$0x0] =	wrdreg $0xFFFFFFFF;
	(pc) =	sbr.abs _section_cstart, $3  }
0xc1: {  	[dreg:$0x1] =	wrdreg $0xFFFFFFFF  }
0xc2: {  	_ =	task.clear_ibuf [dreg:s7], $0x2FFFF;
	_ =	strace $0x9FFFFFFF  }
0xc3: {  	(tm) =	ssettm $0x7FFFFFFF  }
tec
execute0_lowered:
.L_overlay_start_1:
0x0: {  	(tag) =	ssettag $0x1  }
0x1: {  	s6 =	rddreg [dreg:$0x0]  }
0x2: {  	s1 =	srdreg.scid;
	s8 =	rddreg [dreg:$0x1]  }
0x3: {  	s0 =	stileid.u32;
	s2 =	rddreg [dreg:$0x2];
	s3 =	simm.s32 $0x0  }
0x4: {  	s14 =	simm.s32 $0x80;
	s15 =	simm.s32 $0x5000;
	s16 =	simm.s32 $0x1  }
0x5: {  	s17 =	simm.s32 $0x0;
	s7 =	sand.u32 $0x1, s1;
	s1 =	rddreg [dreg:$0x3]  }
0x6: {  	s26 =	sshll.u32 s0, $0x1;
	[smem:$0x7FF] =	sst s3;
	s10 =	smul.u32 $0x2800, s0  }
0x7: {  	s13 =	smul.u32 $0x50000, s0;
	s5 =	sadd.s32 $0x2C00, s6;
	s31 =	sshll.u32 s0, $0x6  }
0x8: {  	s4 =	sor.u32 s7, s26;
	_ =	strace $0x8000004A;
	s11 =	smul.u32 $0x28000, s7  }
0x9: {  	s7 =	ssub.s32 $0x2, s7;
	s9 =	smul.u32 $0x500, s4;
	s4 =	sadd.s32 $0x5F400, s6  }
0xa: {  	s28 =	sshrl.u32 s7, $0x1;
	s29 =	sshrl.u32 s13, $0x2;
	s13 =	simm.s32 $0x2800  }
0xb: {  	s10 =	sadd.s32 s10, s11;
	s30 =	ssub.s32 s7, s28;
	s11 =	sadd.s32 s29, s2  }
0xc: {  	s12 =	sadd.s32 s9, s6;
	s10 =	sadd.s32 s10, s6;
	s6 =	sor.u32 $0x1C02, s31  }
0xd: {  	s8 =	sadd.s32 s8, s9;
	s11 =	sshrl.u32 s11, $0x3;
	s7 =	sadd.s32 $0x55400, s12  }
0xe: {  	s9 =	sadd.s32 $0x87400, s10;
	s10 =	smax.u32 s30, $0x1;
	s12 =	simm.s32 $0x2  }
.LBB2_1:
0xf: {  	[spmem:s11], [sflag:s6] =	dma.local [hbm:s5], $0x2800  }
0x10: {  	_ =	swait.ge [sflag:s12], $0x2800  }
0x11: {  	[sflag:s12] =	ssyncset.done $0x0  }
0x12: {  	[sflag:s12] =	ssyncadd.s32 $0xFFFFD800  }
0x13: {  	[tilespmem:s3], [sflag:$0x2] =	stream.linear.gather [hbm4b:s7+s3], $0x2800, $0x38;
	[tilespmem:$0x1D000] =	vst v63  }
0x14: {  	_ =	swait.ge [sflag:s12], $0x2800  }
0x15: {  	[sflag:s12] =	ssyncset.done $0x0  }
0x16: {  	[sflag:s12] =	ssyncadd.s32 $0xFFFFD800  }
0x17: {  	[tilespmem:s13], [sflag:$0x2] =	stream.linear.gather [hbm4b:s8+s3], $0x2800, $0x38;
	[tilespmem:$0x1D000] =	vst v63  }
0x18: {  	_ =	swait.ge [sflag:s12], $0x2800  }
0x19: {  	[sflag:s12] =	ssyncset.done $0x0  }
0x1a: {  	[sflag:s12] =	ssyncadd.s32 $0xFFFFD800  }
0x1b: {  	s18 =	simm.s32 $0x0;
	[bflag:$0x0] =	sbarrier.arrive $0xFFFF  }
0x1c: {  	[tilespmem:s15], [sflag:$0x1] =	stream.indirect.gather [hbm4b:s4+s14], $0x80, s18, s14, $0xb8;
	[tilespmem:$0x1D000] =	vst v63  }
0x1d: {  	_ =	swait.ge [sflag:s16], $0x4000  }
0x1e: {  	[sflag:s16] =	ssyncset.done $0x0  }
0x1f: {  	s31 =	simm.s32 $0x2800;
	[sflag:s16] =	ssyncadd.s32 $0xFFFFC000  }
0x20: {  	[spmem:s2] =	stream.indirect.scatter.add.f32 [tilespmem:s15], [sflag:$0x2], $0x80, s31, s14, $0xb8;
	[tilespmem:$0x1D000] =	vst v63  }
0x21: {  	_ =	swait.ge [sflag:s12], $0x4000  }
0x22: {  	s19 =	simm.s32 $0x400;
	s18 =	simm.s32 $0x200;
	[sflag:s12] =	ssyncset.done $0x0  }
.LBB2_2:
0x23: {  	s20 =	sshra.s32 s18, $0x2  }
0x24: {  	[sflag:s12] =	ssyncadd.s32 $0xFFFFC000;
	s18 =	smov.u32 s19;
	s21 =	sadd.s32 $0x200, s19  }
0x25: {  	[tilespmem:s15], [sflag:$0x1] =	stream.indirect.gather [hbm4b:s4+s14], $0x80, s20, s14, $0xb8;
	[tilespmem:$0x1D000] =	vst v63  }
0x26: {  	p0 =	sne.s32 s19, $0x9E00;
	_ =	swait.ge [sflag:s16], $0x4000  }
.Ltmp0:
0x27: {  	[sflag:s16] =	ssyncset.done $0x0;
	(pc) =	sbr.rel @p0 .LBB2_2-.Ltmp0, $4  }
0x28: {  	s19 =	sadd.s32 $0x2800, s20;
	[sflag:s16] =	ssyncadd.s32 $0xFFFFC000  }
0x29: {  	[spmem:s2] =	stream.indirect.scatter.add.f32 [tilespmem:s15], [sflag:$0x2], $0x80, s19, s14, $0xb8;
	[tilespmem:$0x1D000] =	vst v63  }
0x2a: {  	_ =	swait.ge [sflag:s12], $0x4000  }
0x2b: {  	s19 =	smov.u32 s21;
	[sflag:s12] =	ssyncset.done $0x0  }
0x2c: {  	s18 =	sshra.s32 s18, $0x2;
	[sflag:s12] =	ssyncadd.s32 $0xFFFFC000  }
0x2d: {  	[tilespmem:s15], [sflag:$0x1] =	stream.indirect.gather [hbm4b:s4+s14], $0x80, s18, s14, $0xb8;
	[tilespmem:$0x1D000] =	vst v63  }
0x2e: {  	_ =	swait.ge [sflag:s16], $0x4000  }
0x2f: {  	[sflag:s16] =	ssyncset.done $0x0  }
0x30: {  	s18 =	sadd.s32 $0x2800, s18;
	[sflag:s16] =	ssyncadd.s32 $0xFFFFC000  }
0x31: {  	[spmem:s2] =	stream.indirect.scatter.add.f32 [tilespmem:s15], [sflag:$0x2], $0x80, s18, s14, $0xb8;
	[tilespmem:$0x1D000] =	vst v63  }
0x32: {  	_ =	swait.ge [sflag:s12], $0x4000  }
0x33: {  	s17 =	sadd.s32 $0x1, s17;
	[sflag:s12] =	ssyncset.done $0x0  }
0x34: {  	p0 =	sne.s32 s17, s10;
	[sflag:s12] =	ssyncadd.s32 $0xFFFFC000  }
.Ltmp1:
0x35: {  	[bflag:$0x0] =	sbarrier.arrive $0xFFFF;
	(pc) =	sbr.rel @p0 .LBB2_1-.Ltmp1, $4  }
0x36: {  	[hbm:s9], [sflag:s6] =	dma.local [spmem:s11], $0x2800  }
0x37: {  	_ =	swait.ge [sflag:s12], $0x2800  }
0x38: {  	[sflag:s12] =	ssyncset.done $0x0  }
0x39: {  	[sflag:s12] =	ssyncadd.s32 $0xFFFFD800  }
0x3a: {  	_ =	sfence.sel $0x180000  }
0x3b: {  	[bflag:$0x0] =	sbarrier.arrive $0xFFFF  }
0x3c: {  	p0 =	sne.s32 s0, $0x0;
	_ =	strace $0x9000004A  }
0x3d: {  	s0 =	sadd.s32 @!p0 $0x100000, s1;
	[bflag:$0x2] =	sbarrier.arrive $0xFFFF  }
0x3e: {  	[sflag:s0] =	ssyncadd.tile.s32 @!p0 $0x1;
	_ =	shalt  }
.Lfunc_end2:
_tile_overlayer_lowered:
.L_overlay_start_2:
0x3f: {  	(tag) =	ssettag $0x2  }
0x40: {  	s0 =	rddreg [dreg:$0x0];
	s2 =	stileid.u32  }
0x41: {  	s1 =	rddreg [dreg:$0x1];
	p0 =	sne.s32 s2, $0x0  }
0x42: {  	s3 =	rddreg [dreg:$0x2];
	[bflag:$0x3] =	sbarrier.arrive $0xFFFF;
	s2 =	simm.s32 @!p0 $0x1C02  }
0x43: {  	[timem:s3], [sflag:s2] =	dma.local @!p0 [hbm:s0], s1  }
0x44: {  	s0 =	simm.s32 @!p0 $0x2  }
0x45: {  	_ =	swait.ge @!p0 [sflag:s0], s1  }
0x46: {  	s1 =	ssub.s32 @!p0 $0x0, s1;
	[sflag:s0] =	ssyncset.done @!p0 $0x0  }
0x47: {  	[sflag:s0] =	ssyncadd.s32 @!p0 s1  }
0x48: {  	[bflag:$0x3] =	sbarrier.arrive $0xFFFF  }
0x49: {  	_ =	shalt  }

// kernel: kernel.14.cloned.1.call-start
scs
__scs_entry_jumppad:
0x0: {  	(pc) =	sbr.rel $0x88, $3  }
0x1: {  	(tag) =	ssettag $0x0;
	lr =	simm.s32 $0x1  }
0x2: {  	[smem:$0x3F9A] =	sst lr;
	_ =	strace $0xD0000000  }
0x3: {  	_ = 	snop  }
0x4: {  	_ = 	snop  }
0x5: {  	_ = 	snop  }
0x6: {  	_ = 	snop  }
0x7: {  	_ = 	snop  }
__scs_overlays_trampoline_lowered:
0x8: {  	[smem:$0x3FA9] =	sst s0  }
0x9: {  	[smem:$0x3FAA] =	sst s1  }
0xa: {  	[smem:$0x3FAB] =	sst s2  }
0xb: {  	[smem:$0x3FAC] =	sst s3  }
0xc: {  	[smem:$0x3FAD] =	sst s4  }
0xd: {  	[smem:$0x3FAE] =	sst s5  }
0xe: {  	[smem:$0x3FAF] =	sst s6  }
0xf: {  	[smem:$0x3FB0] =	sst s7  }
0x10: {  	[smem:$0x3FB1] =	sst s8  }
0x11: {  	[smem:$0x3FB2] =	sst s9;
	s0 =	simm.s32 @!p0 $0x0  }
0x12: {  	s1 =	sld [smem:$0x3F98];
	s0 =	simm.s32 @p0 $0x1  }
0x13: {  	[smem:$0x3FB3] =	sst s0;
	s0 =	simm.s32 @!p1 $0x0  }
0x14: {  	s2 =	sld [smem:$0x3F97];
	s0 =	simm.s32 @p1 $0x1  }
0x15: {  	[smem:$0x3FB4] =	sst s0;
	s0 =	simm.s32 @!p2 $0x0  }
0x16: {  	s3 =	sld [smem:$0x3FDB];
	s0 =	simm.s32 @p2 $0x1  }
0x17: {  	s4 =	simm.s32 $0x1BF5;
	[smem:$0x3FB6] =	sst s0  }
0x18: {  	s0 =	sld [smem:$0x3F99];
	_ =	swait.ge [sflag:s4], $0x0  }
0x19: {  	s7 =	sld [smem:$0x3F9A]  }
0x1a: {  	s8 =	sadd.s32 $0xFFFFE003, lr  }
0x1b: {  	s9 =	sadd.s32 $0xFFFFFEF7, lr;
	s5 =	simm.s32 $0xFFFFFFFF;
	p2 =	slt.u32 s8, $0xFFFFF086  }
0x1c: {  	p1 =	slt.u32 s9, $0xF7A;
	s5 =	simm.s32 @!p2 $0x0  }
0x1d: {  	s5 =	simm.s32 @p1 $0x1;
	p0 =	seq.s32 s7, s2  }
0x1e: {  	s7 =	smul.u32 @!p0 $0xF7A, s2;
	p2 =	seq.s32 @!p0 s5, $0x0  }
0x1f: {  	s9 =	smul.u32 $0xF7A, s1;
	s8 =	simm.s32 @!p0 $0x1BF5;
	p2 =	por !p2, p0  }
0x20: {  	[sflag:s8] =	ssyncset.s32 @!p0 $0xFFFFF086;
	s6 =	sadd.s32 @!p0 s3, s7;
	s7 =	simm.s32 @!p0 $0x108  }
0x21: {  	s3 =	sadd.s32 s3, s9;
	s6 =	sadd.s32 @!p0 $0x88, s6;
	s7 =	simm.s32 @p2 $0x1082  }
0x22: {  	[simem:s7], [sflag:s8] =	dma.local @!p0 [hbm:s6], $0xF7A  }
0x23: {  	s9 =	sor.u32 $0xD0000000, s2;
	s6 =	simm.s32 $0x108;
	_ =	swait.ge @!p0 [sflag:s8], $0x0  }
0x24: {  	s3 =	sadd.s32 $0x88, s3;
	s6 =	simm.s32 @!p1 $0x1082;
	[sflag:s4] =	ssyncset.s32 $0xFFFFF086  }
0x25: {  	[simem:s6], [sflag:s4] =	dma.local [hbm:s3], $0xF7A  }
0x26: {  	[smem:$0x3F9A] =	sst s1;
	(tag) =	ssettag s2;
	_ =	strace s9  }
0x27: {  	s1 =	sld [smem:$0x3FAA]  }
0x28: {  	s2 =	sld [smem:$0x3FAB]  }
0x29: {  	s4 =	sld [smem:$0x3FAD]  }
0x2a: {  	p0 =	seq.s32 s5, $0x0;
	s5 =	sld [smem:$0x3FAE]  }
0x2b: {  	s6 =	sld [smem:$0x3FAF]  }
0x2c: {  	s7 =	sld [smem:$0x3FB0]  }
0x2d: {  	s3 =	simm.s32 $0x108;
	s8 =	sld [smem:$0x3FB1]  }
0x2e: {  	s3 =	simm.s32 @!p0 $0x1082;
	s9 =	sld [smem:$0x3FB2]  }
0x2f: {  	lr =	sadd.s32 s0, s3;
	s0 =	sld [smem:$0x3FA9]  }
0x30: {  	s3 =	sld [smem:$0x3FAC]  }
0x31: {  	[smem:$0x3FB5] =	sst s10  }
0x32: {  	s10 =	sld [smem:$0x3FB3];
	_ =	sdelay $0x3  }
0x33: {  	p0 =	seq.s32 s10, $0x1;
	s10 =	sld [smem:$0x3FB5];
	_ =	sdelay $0x3  }
0x34: {  	[smem:$0x3FB5] =	sst s10  }
0x35: {  	s10 =	sld [smem:$0x3FB4];
	_ =	sdelay $0x3  }
0x36: {  	p1 =	seq.s32 s10, $0x1;
	s10 =	sld [smem:$0x3FB5];
	_ =	sdelay $0x3  }
0x37: {  	[smem:$0x3FB5] =	sst s10  }
0x38: {  	s10 =	sld [smem:$0x3FB6]  }
0x39: {  	_ = 	snop;
	(pc) =	sbr.ind lr, $3  }
0x3a: {  	_ = 	snop  }
0x3b: {  	_ = 	snop  }
0x3c: {  	p2 =	seq.s32 s10, $0x1;
	s10 =	sld [smem:$0x3FB5]  }
0x3d: {  	_ =	shalt  }
0x3e: {  	_ =	shalt  }
0x3f: {  	_ =	shalt  }
0x40: {  	_ =	shalt  }
0x41: {  	_ =	shalt  }
0x42: {  	_ =	shalt  }
0x43: {  	_ =	shalt  }
0x44: {  	_ =	shalt  }
0x45: {  	_ =	shalt  }
0x46: {  	_ =	shalt  }
0x47: {  	_ =	shalt  }
0x48: {  	_ =	shalt  }
0x49: {  	_ =	shalt  }
0x4a: {  	_ =	shalt  }
0x4b: {  	_ =	shalt  }
0x4c: {  	_ =	shalt  }
0x4d: {  	_ =	shalt  }
0x4e: {  	_ =	shalt  }
0x4f: {  	_ =	shalt  }
0x50: {  	_ =	shalt  }
0x51: {  	_ =	shalt  }
0x52: {  	_ =	shalt  }
0x53: {  	_ =	shalt  }
0x54: {  	_ =	shalt  }
0x55: {  	_ =	shalt  }
0x56: {  	_ =	shalt  }
0x57: {  	_ =	shalt  }
0x58: {  	_ =	shalt  }
0x59: {  	_ =	shalt  }
0x5a: {  	_ =	shalt  }
0x5b: {  	_ =	shalt  }
0x5c: {  	_ =	shalt  }
0x5d: {  	_ =	shalt  }
0x5e: {  	_ =	shalt  }
0x5f: {  	_ =	shalt  }
0x60: {  	_ =	shalt  }
0x61: {  	_ =	shalt  }
0x62: {  	_ =	shalt  }
0x63: {  	_ =	shalt  }
0x64: {  	_ =	shalt  }
0x65: {  	_ =	shalt  }
0x66: {  	_ =	shalt  }
0x67: {  	_ =	shalt  }
0x68: {  	_ =	shalt  }
0x69: {  	_ =	shalt  }
0x6a: {  	_ =	shalt  }
0x6b: {  	_ =	shalt  }
0x6c: {  	_ =	shalt  }
0x6d: {  	_ =	shalt  }
0x6e: {  	_ =	shalt  }
0x6f: {  	_ =	shalt  }
0x70: {  	_ =	shalt  }
0x71: {  	_ =	shalt  }
0x72: {  	_ =	shalt  }
0x73: {  	_ =	shalt  }
0x74: {  	_ =	shalt  }
0x75: {  	_ =	shalt  }
0x76: {  	_ =	shalt  }
0x77: {  	_ =	shalt  }
0x78: {  	_ =	shalt  }
0x79: {  	_ =	shalt  }
0x7a: {  	_ =	shalt  }
0x7b: {  	_ =	shalt  }
0x7c: {  	_ =	shalt  }
0x7d: {  	_ =	shalt  }
0x7e: {  	_ =	shalt  }
0x7f: {  	_ =	shalt  }
0x80: {  	_ =	shalt  }
0x81: {  	_ =	shalt  }
0x82: {  	_ =	shalt  }
0x83: {  	_ =	shalt  }
0x84: {  	_ =	shalt  }
0x85: {  	_ =	shalt  }
0x86: {  	_ =	shalt  }
0x87: {  	_ =	shalt  }
.Lfunc_end0:
.L_simem_size_0:
called_computation.2_lowered:
.L_overlay_start_0:
0x88: {  	s2 =	sld [smem:$0x3FD9]  }
0x89: {  	s3 =	sld [smem:$0x3FFE];
	_ =	sdelay $0x1  }
0x8a: {  	s1 =	srdreg.scid  }
0x8b: {  	s0 =	sand.u32 $0x1, s1  }
0x8c: {  	s17 =	sshll.u32 s0, $0xA;
	s2 =	sadd.s32 s3, s2  }
0x8d: {  	s2 =	sadd.s32 s2, s17  }
0x8e: {  	[smem:$0x3FC1] =	sst s2  }
0x8f: {  	_ = 	snop  }
0x90: {  	s2 =	sld [smem:$0x3FD0];
	(tm) =	ssettm $0x1  }
0x91: {  	s18 =	sld [smem:$0x3FFB];
	_ =	sdelay $0x3  }
0x92: {  	_ =	strace s18  }
0x93: {  	s3 =	sld [smem:$0x3FFC];
	_ =	sdelay $0x3  }
0x94: {  	_ =	strace s3  }
0x95: {  	s3 =	sld [smem:$0x3FFD];
	_ =	sdelay $0x3  }
0x96: {  	_ =	strace s3  }
0x97: {  	_ =	strace $0x8FFFFFFF  }
0x98: {  	s19 =	sld [smem:$0x3FDB];
	_ =	sdelay $0x1  }
0x99: {  	s4 =	simm.s32 $_scs_section_size  }
0x9a: {  	s5 =	simm.s32 $_size__tile_overlayer_lowered;
	s6 =	simm.s32 $_tile_overlayer_lowered  }
0x9b: {  	s22 =	simm.s32 $0x1BFF;
	s21 =	sshll.u32 s6, $0x1;
	s3 =	sadd.s32 s4, s19  }
0x9c: {  	s7 =	simm.s32 $0x0;
	s20 =	sshll.u32 s5, $0x1;
	s5 =	sadd.s32 s21, s3  }
0x9d: {  	[timem:s7], [sflag:s22] =	dma.local [hbm:s5], s20  }
0x9e: {  	_ =	swait.ge [sflag:s22], s20  }
0x9f: {  	s4 =	ssub.s32 $0x0, s20;
	[sflag:s22] =	ssyncset.done $0x0  }
0xa0: {  	[sflag:s22] =	ssyncadd.s32 s4;
	_ =	sdelay $0x1  }
0xa1: {  	s23 =	simm.s32 $0x1B8B  }
0xa2: {  	_ =	swait.ge [sflag:s23], $0x1  }
0xa3: {  	[sflag:s23] =	ssyncset.done $0x0  }
0xa4: {  	s25 =	simm.s32 $0x1B8E;
	s24 =	sld [smem:$0x3FFE];
	[sflag:s23] =	ssyncadd.s32 $0xFFFFFFFF  }
0xa5: {  	s26 =	simm.s32 $execute0_lowered;
	[smem:$0x3FD2] =	sst s25  }
0xa6: {  	s5 =	sshll.u32 s26, $0x1;
	_ =	strace $0x8000004C;
	[dreg:$0x1] =	wrdreg $0xFFFFFFFF  }
0xa7: {  	s28 =	simm.s32 $_size_execute0_lowered;
	s3 =	sadd.s32 s3, s5;
	[dreg:$0x0] =	wrdreg $0x0  }
0xa8: {  	s5 =	sshll.u32 s28, $0x1;
	[dreg:$0x2] =	wrdreg s3  }
0xa9: {  	[dreg:$0x3] =	wrdreg s5  }
0xaa: {  	[dreg:$0x4] =	wrdreg $0xC0  }
0xab: {  	_ =	task [dreg:s7], $0x5FFFF  }
0xac: {  	[dreg:$0x1] =	wrdreg $0xFFFFFFFF  }
0xad: {  	[dreg:$0x0] =	wrdreg $0x60  }
0xae: {  	[dreg:$0x2] =	wrdreg s24  }
0xaf: {  	[dreg:$0x3] =	wrdreg s2  }
0xb0: {  	[dreg:$0x4] =	wrdreg $0x90000  }
0xb1: {  	[dreg:$0x5] =	wrdreg $0x9  }
0xb2: {  	_ =	task.clear_ibuf [dreg:s7], $0x6FFFF;
	_ =	strace $0x9000004C  }
0xb3: {  	s29 =	simm.s32 $0x9;
	_ =	strace $0x8000004E  }
0xb4: {  	_ =	swait.ge [sflag:s29], $0x1  }
0xb5: {  	[sflag:s29] =	ssyncadd.s32 $0xFFFFFFFF  }
0xb6: {  	_ =	strace $0x9000004E  }
0xb7: {  	_ =	sfence  }
0xb8: {  	s30 =	sld [smem:$0x0];
	_ =	sdelay $0x2  }
0xb9: {  	s31 =	sshll.u32 s1, $0xD;
	s1 =	sshrl.u32 s1, $0x2  }
0xba: {  	s3 =	sand.u32 $0x4000, s31;
	s1 =	sadd.s32 s1, s30  }
0xbb: {  	s0 =	sor.u32 s3, s0;
	s1 =	sshll.u32 s1, $0x11  }
0xbc: {  	s0 =	sor.u32 s1, s0  }
0xbd: {  	s0 =	sadd.s32 $0x8F2B, s0  }
0xbe: {  	[sflag:s0] =	ssyncadd.remote.s32 $0x1  }
0xbf: {  	_ =	sfence.sel $0xFFFF  }
0xc0: {  	[dreg:$0x0] =	wrdreg $0xFFFFFFFF;
	(pc) =	sbr.abs _section_cstart, $3  }
0xc1: {  	[dreg:$0x1] =	wrdreg $0xFFFFFFFF  }
0xc2: {  	_ =	task.clear_ibuf [dreg:s7], $0x2FFFF;
	_ =	strace $0x9FFFFFFF  }
0xc3: {  	(tm) =	ssettm $0x7FFFFFFF  }
tec
execute0_lowered:
.L_overlay_start_1:
0x0: {  	(tag) =	ssettag $0x1  }
0x1: {  	s6 =	rddreg [dreg:$0x0]  }
0x2: {  	s1 =	srdreg.scid;
	s8 =	rddreg [dreg:$0x1]  }
0x3: {  	s0 =	stileid.u32;
	s2 =	rddreg [dreg:$0x2];
	s3 =	simm.s32 $0x0  }
0x4: {  	s14 =	simm.s32 $0x80;
	s15 =	simm.s32 $0x5000;
	s16 =	simm.s32 $0x1  }
0x5: {  	s17 =	simm.s32 $0x0;
	s7 =	sand.u32 $0x1, s1;
	s1 =	rddreg [dreg:$0x3]  }
0x6: {  	s26 =	sshll.u32 s0, $0x1;
	[smem:$0x7FF] =	sst s3;
	s10 =	smul.u32 $0x2800, s0  }
0x7: {  	s13 =	smul.u32 $0x50000, s0;
	s5 =	sadd.s32 $0x2C00, s6;
	s31 =	sshll.u32 s0, $0x6  }
0x8: {  	s4 =	sor.u32 s7, s26;
	_ =	strace $0x8000004D;
	s11 =	smul.u32 $0x28000, s7  }
0x9: {  	s7 =	ssub.s32 $0x2, s7;
	s9 =	smul.u32 $0x500, s4;
	s4 =	sadd.s32 $0x5F400, s6  }
0xa: {  	s28 =	sshrl.u32 s7, $0x1;
	s29 =	sshrl.u32 s13, $0x2;
	s13 =	simm.s32 $0x2800  }
0xb: {  	s10 =	sadd.s32 s10, s11;
	s30 =	ssub.s32 s7, s28;
	s11 =	sadd.s32 s29, s2  }
0xc: {  	s12 =	sadd.s32 s9, s6;
	s10 =	sadd.s32 s10, s6;
	s6 =	sor.u32 $0x1C02, s31  }
0xd: {  	s8 =	sadd.s32 s8, s9;
	s11 =	sshrl.u32 s11, $0x3;
	s7 =	sadd.s32 $0x55400, s12  }
0xe: {  	s9 =	sadd.s32 $0x87400, s10;
	s10 =	smax.u32 s30, $0x1;
	s12 =	simm.s32 $0x2  }
.LBB2_1:
0xf: {  	[spmem:s11], [sflag:s6] =	dma.local [hbm:s5], $0x2800  }
0x10: {  	_ =	swait.ge [sflag:s12], $0x2800  }
0x11: {  	[sflag:s12] =	ssyncset.done $0x0  }
0x12: {  	[sflag:s12] =	ssyncadd.s32 $0xFFFFD800  }
0x13: {  	[tilespmem:s3], [sflag:$0x2] =	stream.linear.gather [hbm4b:s7+s3], $0x2800, $0x38;
	[tilespmem:$0x1D000] =	vst v63  }
0x14: {  	_ =	swait.ge [sflag:s12], $0x2800  }
0x15: {  	[sflag:s12] =	ssyncset.done $0x0  }
0x16: {  	[sflag:s12] =	ssyncadd.s32 $0xFFFFD800  }
0x17: {  	[tilespmem:s13], [sflag:$0x2] =	stream.linear.gather [hbm4b:s8+s3], $0x2800, $0x38;
	[tilespmem:$0x1D000] =	vst v63  }
0x18: {  	_ =	swait.ge [sflag:s12], $0x2800  }
0x19: {  	[sflag:s12] =	ssyncset.done $0x0  }
0x1a: {  	[sflag:s12] =	ssyncadd.s32 $0xFFFFD800  }
0x1b: {  	s18 =	simm.s32 $0x0;
	[bflag:$0x0] =	sbarrier.arrive $0xFFFF  }
0x1c: {  	[tilespmem:s15], [sflag:$0x1] =	stream.indirect.gather [hbm4b:s4+s14], $0x80, s18, s14, $0xb8;
	[tilespmem:$0x1D000] =	vst v63  }
0x1d: {  	_ =	swait.ge [sflag:s16], $0x4000  }
0x1e: {  	[sflag:s16] =	ssyncset.done $0x0  }
0x1f: {  	s31 =	simm.s32 $0x2800;
	[sflag:s16] =	ssyncadd.s32 $0xFFFFC000  }
0x20: {  	[spmem:s2] =	stream.indirect.scatter.add.f32 [tilespmem:s15], [sflag:$0x2], $0x80, s31, s14, $0xb8;
	[tilespmem:$0x1D000] =	vst v63  }
0x21: {  	_ =	swait.ge [sflag:s12], $0x4000  }
0x22: {  	s19 =	simm.s32 $0x400;
	s18 =	simm.s32 $0x200;
	[sflag:s12] =	ssyncset.done $0x0  }
.LBB2_2:
0x23: {  	s20 =	sshra.s32 s18, $0x2  }
0x24: {  	[sflag:s12] =	ssyncadd.s32 $0xFFFFC000;
	s18 =	smov.u32 s19;
	s21 =	sadd.s32 $0x200, s19  }
0x25: {  	[tilespmem:s15], [sflag:$0x1] =	stream.indirect.gather [hbm4b:s4+s14], $0x80, s20, s14, $0xb8;
	[tilespmem:$0x1D000] =	vst v63  }
0x26: {  	p0 =	sne.s32 s19, $0x9E00;
	_ =	swait.ge [sflag:s16], $0x4000  }
.Ltmp0:
0x27: {  	[sflag:s16] =	ssyncset.done $0x0;
	(pc) =	sbr.rel @p0 .LBB2_2-.Ltmp0, $4  }
0x28: {  	s19 =	sadd.s32 $0x2800, s20;
	[sflag:s16] =	ssyncadd.s32 $0xFFFFC000  }
0x29: {  	[spmem:s2] =	stream.indirect.scatter.add.f32 [tilespmem:s15], [sflag:$0x2], $0x80, s19, s14, $0xb8;
	[tilespmem:$0x1D000] =	vst v63  }
0x2a: {  	_ =	swait.ge [sflag:s12], $0x4000  }
0x2b: {  	s19 =	smov.u32 s21;
	[sflag:s12] =	ssyncset.done $0x0  }
0x2c: {  	s18 =	sshra.s32 s18, $0x2;
	[sflag:s12] =	ssyncadd.s32 $0xFFFFC000  }
0x2d: {  	[tilespmem:s15], [sflag:$0x1] =	stream.indirect.gather [hbm4b:s4+s14], $0x80, s18, s14, $0xb8;
	[tilespmem:$0x1D000] =	vst v63  }
0x2e: {  	_ =	swait.ge [sflag:s16], $0x4000  }
0x2f: {  	[sflag:s16] =	ssyncset.done $0x0  }
0x30: {  	s18 =	sadd.s32 $0x2800, s18;
	[sflag:s16] =	ssyncadd.s32 $0xFFFFC000  }
0x31: {  	[spmem:s2] =	stream.indirect.scatter.add.f32 [tilespmem:s15], [sflag:$0x2], $0x80, s18, s14, $0xb8;
	[tilespmem:$0x1D000] =	vst v63  }
0x32: {  	_ =	swait.ge [sflag:s12], $0x4000  }
0x33: {  	s17 =	sadd.s32 $0x1, s17;
	[sflag:s12] =	ssyncset.done $0x0  }
0x34: {  	p0 =	sne.s32 s17, s10;
	[sflag:s12] =	ssyncadd.s32 $0xFFFFC000  }
.Ltmp1:
0x35: {  	[bflag:$0x0] =	sbarrier.arrive $0xFFFF;
	(pc) =	sbr.rel @p0 .LBB2_1-.Ltmp1, $4  }
0x36: {  	[hbm:s9], [sflag:s6] =	dma.local [spmem:s11], $0x2800  }
0x37: {  	_ =	swait.ge [sflag:s12], $0x2800  }
0x38: {  	[sflag:s12] =	ssyncset.done $0x0  }
0x39: {  	[sflag:s12] =	ssyncadd.s32 $0xFFFFD800  }
0x3a: {  	_ =	sfence.sel $0x180000  }
0x3b: {  	[bflag:$0x0] =	sbarrier.arrive $0xFFFF  }
0x3c: {  	p0 =	sne.s32 s0, $0x0;
	_ =	strace $0x9000004D  }
0x3d: {  	s0 =	sadd.s32 @!p0 $0x100000, s1;
	[bflag:$0x2] =	sbarrier.arrive $0xFFFF  }
0x3e: {  	[sflag:s0] =	ssyncadd.tile.s32 @!p0 $0x1;
	_ =	shalt  }
.Lfunc_end2:
_tile_overlayer_lowered:
.L_overlay_start_2:
0x3f: {  	(tag) =	ssettag $0x2  }
0x40: {  	s0 =	rddreg [dreg:$0x0];
	s2 =	stileid.u32  }
0x41: {  	s1 =	rddreg [dreg:$0x1];
	p0 =	sne.s32 s2, $0x0  }
0x42: {  	s3 =	rddreg [dreg:$0x2];
	[bflag:$0x3] =	sbarrier.arrive $0xFFFF;
	s2 =	simm.s32 @!p0 $0x1C02  }
0x43: {  	[timem:s3], [sflag:s2] =	dma.local @!p0 [hbm:s0], s1  }
0x44: {  	s0 =	simm.s32 @!p0 $0x2  }
0x45: {  	_ =	swait.ge @!p0 [sflag:s0], s1  }
0x46: {  	s1 =	ssub.s32 @!p0 $0x0, s1;
	[sflag:s0] =	ssyncset.done @!p0 $0x0  }
0x47: {  	[sflag:s0] =	ssyncadd.s32 @!p0 s1  }
0x48: {  	[bflag:$0x3] =	sbarrier.arrive $0xFFFF  }
0x49: {  	_ =	shalt  }

// kernel: kernel.8.cloned.1.call-start
scs
__scs_entry_jumppad:
0x0: {  	(pc) =	sbr.rel $0x88, $3  }
0x1: {  	(tag) =	ssettag $0x0;
	lr =	simm.s32 $0x1  }
0x2: {  	[smem:$0x3F9A] =	sst lr;
	_ =	strace $0xD0000000  }
0x3: {  	_ = 	snop  }
0x4: {  	_ = 	snop  }
0x5: {  	_ = 	snop  }
0x6: {  	_ = 	snop  }
0x7: {  	_ = 	snop  }
__scs_overlays_trampoline_lowered:
0x8: {  	[smem:$0x3FA9] =	sst s0  }
0x9: {  	[smem:$0x3FAA] =	sst s1  }
0xa: {  	[smem:$0x3FAB] =	sst s2  }
0xb: {  	[smem:$0x3FAC] =	sst s3  }
0xc: {  	[smem:$0x3FAD] =	sst s4  }
0xd: {  	[smem:$0x3FAE] =	sst s5  }
0xe: {  	[smem:$0x3FAF] =	sst s6  }
0xf: {  	[smem:$0x3FB0] =	sst s7  }
0x10: {  	[smem:$0x3FB1] =	sst s8  }
0x11: {  	[smem:$0x3FB2] =	sst s9;
	s0 =	simm.s32 @!p0 $0x0  }
0x12: {  	s1 =	sld [smem:$0x3F98];
	s0 =	simm.s32 @p0 $0x1  }
0x13: {  	[smem:$0x3FB3] =	sst s0;
	s0 =	simm.s32 @!p1 $0x0  }
0x14: {  	s2 =	sld [smem:$0x3F97];
	s0 =	simm.s32 @p1 $0x1  }
0x15: {  	[smem:$0x3FB4] =	sst s0;
	s0 =	simm.s32 @!p2 $0x0  }
0x16: {  	s3 =	sld [smem:$0x3FDB];
	s0 =	simm.s32 @p2 $0x1  }
0x17: {  	s4 =	simm.s32 $0x1BF5;
	[smem:$0x3FB6] =	sst s0  }
0x18: {  	s0 =	sld [smem:$0x3F99];
	_ =	swait.ge [sflag:s4], $0x0  }
0x19: {  	s7 =	sld [smem:$0x3F9A]  }
0x1a: {  	s8 =	sadd.s32 $0xFFFFE003, lr  }
0x1b: {  	s9 =	sadd.s32 $0xFFFFFEF7, lr;
	s5 =	simm.s32 $0xFFFFFFFF;
	p2 =	slt.u32 s8, $0xFFFFF086  }
0x1c: {  	p1 =	slt.u32 s9, $0xF7A;
	s5 =	simm.s32 @!p2 $0x0  }
0x1d: {  	s5 =	simm.s32 @p1 $0x1;
	p0 =	seq.s32 s7, s2  }
0x1e: {  	s7 =	smul.u32 @!p0 $0xF7A, s2;
	p2 =	seq.s32 @!p0 s5, $0x0  }
0x1f: {  	s9 =	smul.u32 $0xF7A, s1;
	s8 =	simm.s32 @!p0 $0x1BF5;
	p2 =	por !p2, p0  }
0x20: {  	[sflag:s8] =	ssyncset.s32 @!p0 $0xFFFFF086;
	s6 =	sadd.s32 @!p0 s3, s7;
	s7 =	simm.s32 @!p0 $0x108  }
0x21: {  	s3 =	sadd.s32 s3, s9;
	s6 =	sadd.s32 @!p0 $0x88, s6;
	s7 =	simm.s32 @p2 $0x1082  }
0x22: {  	[simem:s7], [sflag:s8] =	dma.local @!p0 [hbm:s6], $0xF7A  }
0x23: {  	s9 =	sor.u32 $0xD0000000, s2;
	s6 =	simm.s32 $0x108;
	_ =	swait.ge @!p0 [sflag:s8], $0x0  }
0x24: {  	s3 =	sadd.s32 $0x88, s3;
	s6 =	simm.s32 @!p1 $0x1082;
	[sflag:s4] =	ssyncset.s32 $0xFFFFF086  }
0x25: {  	[simem:s6], [sflag:s4] =	dma.local [hbm:s3], $0xF7A  }
0x26: {  	[smem:$0x3F9A] =	sst s1;
	(tag) =	ssettag s2;
	_ =	strace s9  }
0x27: {  	s1 =	sld [smem:$0x3FAA]  }
0x28: {  	s2 =	sld [smem:$0x3FAB]  }
0x29: {  	s4 =	sld [smem:$0x3FAD]  }
0x2a: {  	p0 =	seq.s32 s5, $0x0;
	s5 =	sld [smem:$0x3FAE]  }
0x2b: {  	s6 =	sld [smem:$0x3FAF]  }
0x2c: {  	s7 =	sld [smem:$0x3FB0]  }
0x2d: {  	s3 =	simm.s32 $0x108;
	s8 =	sld [smem:$0x3FB1]  }
0x2e: {  	s3 =	simm.s32 @!p0 $0x1082;
	s9 =	sld [smem:$0x3FB2]  }
0x2f: {  	lr =	sadd.s32 s0, s3;
	s0 =	sld [smem:$0x3FA9]  }
0x30: {  	s3 =	sld [smem:$0x3FAC]  }
0x31: {  	[smem:$0x3FB5] =	sst s10  }
0x32: {  	s10 =	sld [smem:$0x3FB3];
	_ =	sdelay $0x3  }
0x33: {  	p0 =	seq.s32 s10, $0x1;
	s10 =	sld [smem:$0x3FB5];
	_ =	sdelay $0x3  }
0x34: {  	[smem:$0x3FB5] =	sst s10  }
0x35: {  	s10 =	sld [smem:$0x3FB4];
	_ =	sdelay $0x3  }
0x36: {  	p1 =	seq.s32 s10, $0x1;
	s10 =	sld [smem:$0x3FB5];
	_ =	sdelay $0x3  }
0x37: {  	[smem:$0x3FB5] =	sst s10  }
0x38: {  	s10 =	sld [smem:$0x3FB6]  }
0x39: {  	_ = 	snop;
	(pc) =	sbr.ind lr, $3  }
0x3a: {  	_ = 	snop  }
0x3b: {  	_ = 	snop  }
0x3c: {  	p2 =	seq.s32 s10, $0x1;
	s10 =	sld [smem:$0x3FB5]  }
0x3d: {  	_ =	shalt  }
0x3e: {  	_ =	shalt  }
0x3f: {  	_ =	shalt  }
0x40: {  	_ =	shalt  }
0x41: {  	_ =	shalt  }
0x42: {  	_ =	shalt  }
0x43: {  	_ =	shalt  }
0x44: {  	_ =	shalt  }
0x45: {  	_ =	shalt  }
0x46: {  	_ =	shalt  }
0x47: {  	_ =	shalt  }
0x48: {  	_ =	shalt  }
0x49: {  	_ =	shalt  }
0x4a: {  	_ =	shalt  }
0x4b: {  	_ =	shalt  }
0x4c: {  	_ =	shalt  }
0x4d: {  	_ =	shalt  }
0x4e: {  	_ =	shalt  }
0x4f: {  	_ =	shalt  }
0x50: {  	_ =	shalt  }
0x51: {  	_ =	shalt  }
0x52: {  	_ =	shalt  }
0x53: {  	_ =	shalt  }
0x54: {  	_ =	shalt  }
0x55: {  	_ =	shalt  }
0x56: {  	_ =	shalt  }
0x57: {  	_ =	shalt  }
0x58: {  	_ =	shalt  }
0x59: {  	_ =	shalt  }
0x5a: {  	_ =	shalt  }
0x5b: {  	_ =	shalt  }
0x5c: {  	_ =	shalt  }
0x5d: {  	_ =	shalt  }
0x5e: {  	_ =	shalt  }
0x5f: {  	_ =	shalt  }
0x60: {  	_ =	shalt  }
0x61: {  	_ =	shalt  }
0x62: {  	_ =	shalt  }
0x63: {  	_ =	shalt  }
0x64: {  	_ =	shalt  }
0x65: {  	_ =	shalt  }
0x66: {  	_ =	shalt  }
0x67: {  	_ =	shalt  }
0x68: {  	_ =	shalt  }
0x69: {  	_ =	shalt  }
0x6a: {  	_ =	shalt  }
0x6b: {  	_ =	shalt  }
0x6c: {  	_ =	shalt  }
0x6d: {  	_ =	shalt  }
0x6e: {  	_ =	shalt  }
0x6f: {  	_ =	shalt  }
0x70: {  	_ =	shalt  }
0x71: {  	_ =	shalt  }
0x72: {  	_ =	shalt  }
0x73: {  	_ =	shalt  }
0x74: {  	_ =	shalt  }
0x75: {  	_ =	shalt  }
0x76: {  	_ =	shalt  }
0x77: {  	_ =	shalt  }
0x78: {  	_ =	shalt  }
0x79: {  	_ =	shalt  }
0x7a: {  	_ =	shalt  }
0x7b: {  	_ =	shalt  }
0x7c: {  	_ =	shalt  }
0x7d: {  	_ =	shalt  }
0x7e: {  	_ =	shalt  }
0x7f: {  	_ =	shalt  }
0x80: {  	_ =	shalt  }
0x81: {  	_ =	shalt  }
0x82: {  	_ =	shalt  }
0x83: {  	_ =	shalt  }
0x84: {  	_ =	shalt  }
0x85: {  	_ =	shalt  }
0x86: {  	_ =	shalt  }
0x87: {  	_ =	shalt  }
.Lfunc_end0:
.L_simem_size_0:
called_computation_lowered:
.L_overlay_start_0:
0x88: {  	s2 =	sld [smem:$0x3FD9]  }
0x89: {  	s3 =	sld [smem:$0x3FFE];
	_ =	sdelay $0x1  }
0x8a: {  	s1 =	srdreg.scid  }
0x8b: {  	s0 =	sand.u32 $0x1, s1  }
0x8c: {  	s17 =	sshll.u32 s0, $0xA;
	s2 =	sadd.s32 s3, s2  }
0x8d: {  	s2 =	sadd.s32 s2, s17  }
0x8e: {  	[smem:$0x3FC1] =	sst s2  }
0x8f: {  	_ = 	snop  }
0x90: {  	s2 =	sld [smem:$0x3FD0];
	(tm) =	ssettm $0x1  }
0x91: {  	s18 =	sld [smem:$0x3FFB];
	_ =	sdelay $0x3  }
0x92: {  	_ =	strace s18  }
0x93: {  	s3 =	sld [smem:$0x3FFC];
	_ =	sdelay $0x3  }
0x94: {  	_ =	strace s3  }
0x95: {  	s3 =	sld [smem:$0x3FFD];
	_ =	sdelay $0x3  }
0x96: {  	_ =	strace s3  }
0x97: {  	_ =	strace $0x8FFFFFFF  }
0x98: {  	s19 =	sld [smem:$0x3FDB];
	_ =	sdelay $0x1  }
0x99: {  	s4 =	simm.s32 $_scs_section_size  }
0x9a: {  	s5 =	simm.s32 $_size__tile_overlayer_lowered;
	s6 =	simm.s32 $_tile_overlayer_lowered  }
0x9b: {  	s22 =	simm.s32 $0x1BFF;
	s21 =	sshll.u32 s6, $0x1;
	s3 =	sadd.s32 s4, s19  }
0x9c: {  	s7 =	simm.s32 $0x0;
	s20 =	sshll.u32 s5, $0x1;
	s5 =	sadd.s32 s21, s3  }
0x9d: {  	[timem:s7], [sflag:s22] =	dma.local [hbm:s5], s20  }
0x9e: {  	_ =	swait.ge [sflag:s22], s20  }
0x9f: {  	s4 =	ssub.s32 $0x0, s20;
	[sflag:s22] =	ssyncset.done $0x0  }
0xa0: {  	[sflag:s22] =	ssyncadd.s32 s4;
	_ =	sdelay $0x1  }
0xa1: {  	s23 =	simm.s32 $0x1B8B  }
0xa2: {  	_ =	swait.ge [sflag:s23], $0x1  }
0xa3: {  	[sflag:s23] =	ssyncset.done $0x0  }
0xa4: {  	s25 =	simm.s32 $0x1B8E;
	s24 =	sld [smem:$0x3FFE];
	[sflag:s23] =	ssyncadd.s32 $0xFFFFFFFF  }
0xa5: {  	s26 =	simm.s32 $execute0_lowered;
	[smem:$0x3FD2] =	sst s25  }
0xa6: {  	s5 =	sshll.u32 s26, $0x1;
	_ =	strace $0x80000046;
	[dreg:$0x1] =	wrdreg $0xFFFFFFFF  }
0xa7: {  	s28 =	simm.s32 $_size_execute0_lowered;
	s3 =	sadd.s32 s3, s5;
	[dreg:$0x0] =	wrdreg $0x0  }
0xa8: {  	s5 =	sshll.u32 s28, $0x1;
	[dreg:$0x2] =	wrdreg s3  }
0xa9: {  	[dreg:$0x3] =	wrdreg s5  }
0xaa: {  	[dreg:$0x4] =	wrdreg $0xC0  }
0xab: {  	_ =	task [dreg:s7], $0x5FFFF  }
0xac: {  	[dreg:$0x1] =	wrdreg $0xFFFFFFFF  }
0xad: {  	[dreg:$0x0] =	wrdreg $0x60  }
0xae: {  	[dreg:$0x2] =	wrdreg s2  }
0xaf: {  	[dreg:$0x3] =	wrdreg s24  }
0xb0: {  	[dreg:$0x4] =	wrdreg $0x68000  }
0xb1: {  	[dreg:$0x5] =	wrdreg $0x9  }
0xb2: {  	_ =	task.clear_ibuf [dreg:s7], $0x6FFFF;
	_ =	strace $0x90000046  }
0xb3: {  	s29 =	simm.s32 $0x9;
	_ =	strace $0x80000048  }
0xb4: {  	_ =	swait.ge [sflag:s29], $0x1  }
0xb5: {  	[sflag:s29] =	ssyncadd.s32 $0xFFFFFFFF  }
0xb6: {  	_ =	strace $0x90000048  }
0xb7: {  	_ =	sfence  }
0xb8: {  	s30 =	sld [smem:$0x0];
	_ =	sdelay $0x2  }
0xb9: {  	s31 =	sshll.u32 s1, $0xD;
	s1 =	sshrl.u32 s1, $0x2  }
0xba: {  	s3 =	sand.u32 $0x4000, s31;
	s1 =	sadd.s32 s1, s30  }
0xbb: {  	s0 =	sor.u32 s3, s0;
	s1 =	sshll.u32 s1, $0x11  }
0xbc: {  	s0 =	sor.u32 s1, s0  }
0xbd: {  	s0 =	sadd.s32 $0x8F2B, s0  }
0xbe: {  	[sflag:s0] =	ssyncadd.remote.s32 $0x1  }
0xbf: {  	_ =	sfence.sel $0xFFFF  }
0xc0: {  	[dreg:$0x0] =	wrdreg $0xFFFFFFFF;
	(pc) =	sbr.abs _section_cstart, $3  }
0xc1: {  	[dreg:$0x1] =	wrdreg $0xFFFFFFFF  }
0xc2: {  	_ =	task.clear_ibuf [dreg:s7], $0x2FFFF;
	_ =	strace $0x9FFFFFFF  }
0xc3: {  	(tm) =	ssettm $0x7FFFFFFF  }
tec
execute0_lowered:
.L_overlay_start_1:
0x0: {  	(tag) =	ssettag $0x1  }
0x1: {  	s6 =	rddreg [dreg:$0x0]  }
0x2: {  	s5 =	rddreg [dreg:$0x1]  }
0x3: {  	s2 =	rddreg [dreg:$0x2]  }
0x4: {  	s0 =	rddreg [dreg:$0x3]  }
0x5: {  	s4 =	srdreg.scid;
	s1 =	stileid.u32  }
0x6: {  	s3 =	simm.s32 $0x0;
	s12 =	simm.s32 $0x2800;
	s7 =	sand.u32 $0x1, s4  }
0x7: {  	s8 =	smul.u32 $0x2800, s1;
	[smem:$0x7FF] =	sst s3;
	s4 =	sadd.s32 $0x2C00, s5  }
0x8: {  	s26 =	sshll.u32 s1, $0x1;
	s28 =	smul.u32 $0x50000, s1;
	s31 =	sshll.u32 s1, $0x6  }
0x9: {  	s9 =	smul.u32 $0x28000, s7;
	s10 =	ssub.s32 $0x2, s7;
	s7 =	sor.u32 s7, s26  }
0xa: {  	_ =	strace $0x80000047;
	s29 =	sshrl.u32 s10, $0x1;
	s7 =	smul.u32 $0x500, s7  }
0xb: {  	s30 =	sshrl.u32 s28, $0x2;
	s8 =	sadd.s32 s8, s9;
	s10 =	ssub.s32 s10, s29  }
0xc: {  	s11 =	sadd.s32 s30, s2;
	s8 =	sadd.s32 s8, s5;
	s5 =	sor.u32 $0x1C01, s31  }
0xd: {  	s6 =	sadd.s32 s6, s7;
	s9 =	sshrl.u32 s11, $0x3;
	s11 =	simm.s32 $0x80  }
0xe: {  	v0 =	vimm.f32 $1.000000000e+00;
	s7 =	sadd.s32 $0x5400, s8;
	s8 =	smax.u32 s10, $0x1;
	s10 =	simm.s32 $0x1  }
.LBB2_1:
0xf: {  	s13 =	simm.s32 $0x0;
	s14 =	simm.s32 $0x200  }
.LBB2_2:
0x10: {  	p0 =	sne.s32 s14, $0xFE00;
	[tilespmem:s13+$0x2870] =	vst v0  }
0x11: {  	[tilespmem:s13+$0x2800] =	vst v0  }
0x12: {  	[tilespmem:s13+$0x2810] =	vst v0  }
.Ltmp0:
0x13: {  	[tilespmem:s13+$0x2820] =	vst v0;
	(pc) =	sbr.rel @p0 .LBB2_2-.Ltmp0, $4  }
0x14: {  	[tilespmem:s13+$0x2830] =	vst v0  }
0x15: {  	[tilespmem:s13+$0x2840] =	vst v0  }
0x16: {  	[tilespmem:s13+$0x2850] =	vst v0  }
0x17: {  	[tilespmem:s13+$0x2860] =	vst v0;
	s13 =	sshra.s32 s14, $0x2;
	s14 =	sadd.s32 $0x200, s14  }
0x18: {  	[tilespmem:s13+$0x2870] =	vst v0  }
0x19: {  	[tilespmem:s13+$0x2800] =	vst v0  }
0x1a: {  	[tilespmem:s13+$0x2810] =	vst v0  }
0x1b: {  	[tilespmem:s13+$0x2820] =	vst v0  }
0x1c: {  	[tilespmem:s13+$0x2830] =	vst v0  }
0x1d: {  	[tilespmem:s13+$0x2840] =	vst v0  }
0x1e: {  	[tilespmem:s13+$0x2850] =	vst v0  }
0x1f: {  	[tilespmem:s13+$0x2860] =	vst v0  }
0x20: {  	[spmem:s9], [sflag:s5] =	dma.local [hbm:s4], $0x2800  }
0x21: {  	_ =	swait.ge [sflag:s10], $0x2800  }
0x22: {  	[sflag:s10] =	ssyncset.done $0x0  }
0x23: {  	s30 =	simm.s32 $0x0;
	[sflag:s10] =	ssyncadd.s32 $0xFFFFD800  }
0x24: {  	[tilespmem:s30], [sflag:$0x1] =	stream.linear.gather [hbm4b:s6+s30], $0x2800, $0x38;
	[tilespmem:$0x1A800] =	vst v63  }
0x25: {  	_ =	swait.ge [sflag:s10], $0x2800  }
0x26: {  	[sflag:s10] =	ssyncset.done $0x0  }
0x27: {  	[sflag:s10] =	ssyncadd.s32 $0xFFFFD800  }
0x28: {  	s31 =	simm.s32 $0x0;
	[bflag:$0x0] =	sbarrier.arrive $0xFFFF  }
0x29: {  	[spmem:s2] =	stream.indirect.scatter.add.f32 [tilespmem:s12], [sflag:$0x1], $0x80, s31, s11, $0xb8;
	[tilespmem:$0x1A800] =	vst v63  }
0x2a: {  	_ =	swait.ge [sflag:s10], $0x4000  }
0x2b: {  	s13 =	simm.s32 $0x200;
	[sflag:s10] =	ssyncset.done $0x0  }
.LBB2_4:
0x2c: {  	s14 =	sshra.s32 s13, $0x2;
	[sflag:s10] =	ssyncadd.s32 $0xFFFFC000;
	p0 =	sne.s32 s13, $0x9E00  }
0x2d: {  	[spmem:s2] =	stream.indirect.scatter.add.f32 [tilespmem:s12], [sflag:$0x1], $0x80, s14, s11, $0xb8;
	[tilespmem:$0x1A800] =	vst v63  }
.Ltmp1:
0x2e: {  	_ = 	snop;
	(pc) =	sbr.rel @p0 .LBB2_4-.Ltmp1, $4  }
0x2f: {  	_ = 	snop  }
0x30: {  	s13 =	sadd.s32 $0x200, s13  }
0x31: {  	_ =	swait.ge [sflag:s10], $0x4000  }
0x32: {  	[sflag:s10] =	ssyncset.done $0x0  }
0x33: {  	s3 =	sadd.s32 $0x1, s3  }
0x34: {  	[sflag:s10] =	ssyncadd.s32 $0xFFFFC000;
	p0 =	sne.s32 s3, s8  }
.Ltmp2:
0x35: {  	[bflag:$0x0] =	sbarrier.arrive $0xFFFF;
	(pc) =	sbr.rel @p0 .LBB2_1-.Ltmp2, $4  }
0x36: {  	[hbm:s7], [sflag:s5] =	dma.local [spmem:s9], $0x2800  }
0x37: {  	_ =	swait.ge [sflag:s10], $0x2800  }
0x38: {  	[sflag:s10] =	ssyncset.done $0x0  }
0x39: {  	[sflag:s10] =	ssyncadd.s32 $0xFFFFD800  }
0x3a: {  	_ =	sfence.sel $0x180000  }
0x3b: {  	[bflag:$0x0] =	sbarrier.arrive $0xFFFF  }
0x3c: {  	p0 =	sne.s32 s1, $0x0;
	_ =	strace $0x90000047  }
0x3d: {  	s0 =	sadd.s32 @!p0 $0x100000, s0;
	[bflag:$0x2] =	sbarrier.arrive $0xFFFF  }
0x3e: {  	[sflag:s0] =	ssyncadd.tile.s32 @!p0 $0x1;
	_ =	shalt  }
.Lfunc_end2:
_tile_overlayer_lowered:
.L_overlay_start_2:
0x3f: {  	(tag) =	ssettag $0x2  }
0x40: {  	s0 =	rddreg [dreg:$0x0];
	s2 =	stileid.u32  }
0x41: {  	s1 =	rddreg [dreg:$0x1];
	p0 =	sne.s32 s2, $0x0  }
0x42: {  	s3 =	rddreg [dreg:$0x2];
	[bflag:$0x3] =	sbarrier.arrive $0xFFFF;
	s2 =	simm.s32 @!p0 $0x1C01  }
0x43: {  	[timem:s3], [sflag:s2] =	dma.local @!p0 [hbm:s0], s1  }
0x44: {  	s0 =	simm.s32 @!p0 $0x1  }
0x45: {  	_ =	swait.ge @!p0 [sflag:s0], s1  }
0x46: {  	s1 =	ssub.s32 @!p0 $0x0, s1;
	[sflag:s0] =	ssyncset.done @!p0 $0x0  }
0x47: {  	[sflag:s0] =	ssyncadd.s32 @!p0 s1  }
0x48: {  	[bflag:$0x3] =	sbarrier.arrive $0xFFFF  }
0x49: {  	_ =	shalt  }

</sc_bundles>
